<compile_context>
chip_gen: v7x
topology: tpu7x:2x2x1
jax: 0.10.2.dev20260603
libtpu: 0.0.44.dev20260713+nightly
codegen_flags: <defaults>
</compile_context>

<pallas_src>
import functools

import jax
import jax.numpy as jnp
from jax import lax
from jax.experimental import pallas as pl
from jax.experimental.pallas import tpu as pltpu
from jax.experimental.pallas import tpu_sc as plsc

N = 10000
E = 320000
D_IN = 128
D_H1 = 128
D_H2 = 64

NC = 2
NS = 16
NW = NC * NS

CHUNK = 128
K0 = 84
K1 = 76
IDX_ROWS = NS * (K0 + K1) + (K0 - K1)
E_PAD = IDX_ROWS * CHUNK

N_PAD = 10240
ROWS_PER_TILE = N_PAD // NS

_MESH = plsc.VectorSubcoreMesh(
    core_axis_name="c", subcore_axis_name="s", num_cores=NC, num_subcores=NS
)



def _chunk_split(c, s):
    nch = jnp.where(c == 0, K0, K1)
    base = jnp.where(c == 0, s * K0, NS * K0 + s * K1)
    return nch, base


def _deg_body(dst_hbm, ones_hbm, zeros_hbm, out_hbm, idx_v, ones_v, sem,
              deg_sp):
    c = lax.axis_index("c")
    s = lax.axis_index("s")
    nch, base = _chunk_split(c, s)
    row0 = s * ROWS_PER_TILE
    pltpu.sync_copy(zeros_hbm, deg_sp.at[pl.ds(row0, ROWS_PER_TILE)])
    pltpu.sync_copy(ones_hbm, ones_v)
    pltpu.sync_copy(dst_hbm.at[pl.ds(base, K0)], idx_v)
    plsc.subcore_barrier()

    GRP = 4

    def group(g, carry):
        j0 = g * GRP
        for b in range(GRP):
            pltpu.async_copy(ones_v, deg_sp.at[idx_v.at[j0 + b]], sem,
                             add=True)
        for b in range(GRP):
            pltpu.make_async_copy(ones_v, deg_sp.at[idx_v.at[j0 + b]],
                                  sem).wait()
        return carry

    lax.fori_loop(0, nch // GRP, group, 0)
    plsc.subcore_barrier()
    pltpu.sync_copy(
        deg_sp.at[pl.ds(row0, ROWS_PER_TILE)],
        out_hbm.at[pl.ds(c * N_PAD + row0, ROWS_PER_TILE)],
    )


_SC_PARAMS = pltpu.CompilerParams(use_tc_tiling_on_sc=False)

_sc_deg = pl.kernel(
    _deg_body,
    out_type=jax.ShapeDtypeStruct((NC * N_PAD, 16), jnp.float32),
    mesh=_MESH,
    compiler_params=_SC_PARAMS,
    scratch_types=[
        pltpu.VMEM((K0, CHUNK), jnp.int32),
        pltpu.VMEM((CHUNK, 16), jnp.float32),
        pltpu.SemaphoreType.DMA,
        pltpu.VMEM_SHARED((N_PAD, 16), jnp.float32),
    ],
)


def _agg_body(g_hbm, src_hbm, dst_hbm, zeros_hbm, out_hbm,
              sidx, didx0, didx1, rows0, rows1, gsem0, gsem1, dsem0, dsem1,
              acc_sp):
    c = lax.axis_index("c")
    s = lax.axis_index("s")
    nch, base = _chunk_split(c, s)
    row0 = s * ROWS_PER_TILE
    pltpu.sync_copy(zeros_hbm, acc_sp.at[pl.ds(row0, ROWS_PER_TILE)])
    pltpu.sync_copy(src_hbm.at[pl.ds(base, K0)], sidx)
    plsc.subcore_barrier()

    rows = (rows0, rows1)
    didx = (didx0, didx1)
    gsem = (gsem0, gsem1)
    dsem = (dsem0, dsem1)
    pltpu.async_copy(g_hbm.at[sidx.at[0]], rows[0], gsem[0])
    pltpu.async_copy(dst_hbm.at[0 + base], didx[0], dsem[0])

    def step2(g, carry):
        for b in range(2):
            j = g * 2 + b
            nb = 1 - b

            @pl.when(j + 1 < nch)
            def _():
                pltpu.async_copy(g_hbm.at[sidx.at[j + 1]], rows[nb], gsem[nb])
                pltpu.async_copy(dst_hbm.at[j + 1 + base], didx[nb], dsem[nb])

            pltpu.make_async_copy(g_hbm.at[sidx.at[j]], rows[b],
                                  gsem[b]).wait()
            pltpu.make_async_copy(dst_hbm.at[j + base], didx[b],
                                  dsem[b]).wait()
            pltpu.sync_copy(rows[b], acc_sp.at[didx[b]], add=True)
        return carry

    lax.fori_loop(0, nch // 2, step2, 0)
    plsc.subcore_barrier()
    pltpu.sync_copy(
        acc_sp.at[pl.ds(row0, ROWS_PER_TILE)],
        out_hbm.at[pl.ds(c * N_PAD + row0, ROWS_PER_TILE)],
    )


def _make_agg(d):
    return pl.kernel(
        _agg_body,
        out_type=jax.ShapeDtypeStruct((NC * N_PAD, d), jnp.float32),
        mesh=_MESH,
        compiler_params=_SC_PARAMS,
        scratch_types=[
            pltpu.VMEM((K0, CHUNK), jnp.int32),
            pltpu.VMEM((CHUNK,), jnp.int32),
            pltpu.VMEM((CHUNK,), jnp.int32),
            pltpu.VMEM((CHUNK, d), jnp.float32),
            pltpu.VMEM((CHUNK, d), jnp.float32),
            pltpu.SemaphoreType.DMA,
            pltpu.SemaphoreType.DMA,
            pltpu.SemaphoreType.DMA,
            pltpu.SemaphoreType.DMA,
            pltpu.VMEM_SHARED((N_PAD, d), jnp.float32),
        ],
    )


_sc_agg1 = _make_agg(D_H1)
_sc_agg2 = _make_agg(D_H2)



def _dis_from_parts(deg_ref):
    dp = deg_ref[...]
    deg = dp[:N_PAD, 0:1] + dp[N_PAD:, 0:1] + 1.0
    rows = lax.broadcasted_iota(jnp.int32, (N_PAD, 1), 0)
    return jnp.where(rows < N, lax.rsqrt(deg), 0.0), rows


def _tca_body(deg_ref, x_ref, w1_ref, g1_ref):
    dis, _ = _dis_from_parts(deg_ref)
    h = jnp.dot(x_ref[...], w1_ref[...], preferred_element_type=jnp.float32)
    g1_ref[...] = h * dis


def _bn_relu(out, rows, gamma, beta):
    out = jnp.where(rows < N, out, 0.0)
    mean = jnp.sum(out, axis=0, keepdims=True) * (1.0 / N)
    cent = jnp.where(rows < N, out - mean, 0.0)
    var = jnp.sum(cent * cent, axis=0, keepdims=True) * (1.0 / N)
    h = cent * lax.rsqrt(var + 1e-5) * gamma + beta
    return jnp.where(rows < N, jnp.maximum(h, 0.0), 0.0)


def _tcb_body(deg_ref, acc_ref, g1_ref, b1_ref, gm1_ref, bt1_ref, w2_ref,
              g2_ref):
    dis, rows = _dis_from_parts(deg_ref)
    acc = acc_ref[:N_PAD, :] + acc_ref[N_PAD:, :] + g1_ref[...]
    out = acc * dis + b1_ref[...]
    h = _bn_relu(out, rows, gm1_ref[...], bt1_ref[...])
    h2 = jnp.dot(h, w2_ref[...], preferred_element_type=jnp.float32)
    g2_ref[...] = h2 * dis


def _tcc_body(deg_ref, acc_ref, g2_ref, b2_ref, gm2_ref, bt2_ref, out_ref):
    dis, rows = _dis_from_parts(deg_ref)
    acc = acc_ref[:N_PAD, :] + acc_ref[N_PAD:, :] + g2_ref[...]
    out = acc * dis + b2_ref[...]
    out_ref[...] = _bn_relu(out, rows, gm2_ref[...], bt2_ref[...])[:N]


_tc_a = pl.pallas_call(
    _tca_body,
    out_shape=jax.ShapeDtypeStruct((N_PAD, D_H1), jnp.float32),
)
_tc_b = pl.pallas_call(
    _tcb_body,
    out_shape=jax.ShapeDtypeStruct((N_PAD, D_H2), jnp.float32),
)
_tc_c = pl.pallas_call(
    _tcc_body,
    out_shape=jax.ShapeDtypeStruct((N, D_H2), jnp.float32),
)



@jax.jit
def kernel(x, edge_index, W1, b1, gamma1, beta1, W2, b2, gamma2, beta2):
    src = edge_index[0].astype(jnp.int32)
    dst = edge_index[1].astype(jnp.int32)
    pad_src = (N + jnp.arange(E_PAD - E, dtype=jnp.int32) % (N_PAD - N))
    pad_dst = jnp.full((E_PAD - E,), N, dtype=jnp.int32)
    src_pad = jnp.concatenate([src, pad_src]).reshape(IDX_ROWS, CHUNK)
    dst_pad = jnp.concatenate([dst, pad_dst]).reshape(IDX_ROWS, CHUNK)
    x_pad = jnp.zeros((N_PAD, D_IN), jnp.float32).at[:N].set(x)

    ones16 = jnp.ones((CHUNK, 16), jnp.float32)
    zeros16 = jnp.zeros((ROWS_PER_TILE, 16), jnp.float32)
    zeros1 = jnp.zeros((ROWS_PER_TILE, D_H1), jnp.float32)
    zeros2 = jnp.zeros((ROWS_PER_TILE, D_H2), jnp.float32)

    deg_parts = _sc_deg(dst_pad, ones16, zeros16)
    g1 = _tc_a(deg_parts, x_pad, W1)
    acc1 = _sc_agg1(g1, src_pad, dst_pad, zeros1)
    g2 = _tc_b(deg_parts, acc1, g1, b1.reshape(1, D_H1),
               gamma1.reshape(1, D_H1), beta1.reshape(1, D_H1), W2)
    acc2 = _sc_agg2(g2, src_pad, dst_pad, zeros2)
    return _tc_c(deg_parts, acc2, g2, b2.reshape(1, D_H2),
                 gamma2.reshape(1, D_H2), beta2.reshape(1, D_H2))

# --- scband reference (transcript-rebuilt; emitter-appended) ---
"""Pipeline reference for scband-gaeencoder-81398220194428 (READ-ONLY COPY).

The authoritative reference and input builder live on the scoring server;
editing this copy changes nothing except your own understanding.
"""

import jax, jax.numpy as jnp
import numpy as np

N_NODES = 10000
N_EDGES = 320000
D_IN = 128
D_H1 = 128
D_H2 = 64


def setup_inputs(seed: int = 0) -> dict:
    key = jax.random.key(seed)
    ks = jax.random.split(key, 10)
    x = jax.random.normal(ks[0], (N_NODES, D_IN), dtype=jnp.float32)
    edge_index = jax.random.randint(ks[1], (2, N_EDGES), 0, N_NODES)
    W1 = jax.random.normal(ks[2], (D_IN, D_H1), dtype=jnp.float32) * (1.0 / np.sqrt(D_IN))
    b1 = jnp.zeros((D_H1,), dtype=jnp.float32)
    gamma1 = jnp.ones((D_H1,), dtype=jnp.float32)
    beta1 = jnp.zeros((D_H1,), dtype=jnp.float32)
    W2 = jax.random.normal(ks[3], (D_H1, D_H2), dtype=jnp.float32) * (1.0 / np.sqrt(D_H1))
    b2 = jnp.zeros((D_H2,), dtype=jnp.float32)
    gamma2 = jnp.ones((D_H2,), dtype=jnp.float32)
    beta2 = jnp.zeros((D_H2,), dtype=jnp.float32)
    return {"x": x, "edge_index": edge_index, "W1": W1, "b1": b1, "gamma1": gamma1, "beta1": beta1, "W2": W2, "b2": b2, "gamma2": gamma2, "beta2": beta2}


def _gcn_conv(x, edge_index, W, b):
    # PyG GCNConv: add self-loops, symmetric normalization, linear transform, scatter-add aggregate
    n = x.shape[0]
    loop = jnp.arange(n)
    src = jnp.concatenate([edge_index[0], loop])
    dst = jnp.concatenate([edge_index[1], loop])
    h = x @ W
    deg = jax.ops.segment_sum(jnp.ones_like(dst, dtype=h.dtype), dst, num_segments=n)
    deg_inv_sqrt = jnp.where(deg > 0, 1.0 / jnp.sqrt(deg), 0.0)
    norm = deg_inv_sqrt[src] * deg_inv_sqrt[dst]
    msgs = h[src] * norm[:, None]
    out = jax.ops.segment_sum(msgs, dst, num_segments=n)
    return out + b


def _batch_norm(x, gamma, beta, eps=1e-5):
    mean = jnp.mean(x, axis=0)
    var = jnp.var(x, axis=0)
    return (x - mean) / jnp.sqrt(var + eps) * gamma + beta


def reference(x, edge_index, W1, b1, gamma1, beta1, W2, b2, gamma2, beta2):
    h = _gcn_conv(x, edge_index, W1, b1)
    h = _batch_norm(h, gamma1, beta1)
    h = jax.nn.relu(h)
    h = _gcn_conv(h, edge_index, W2, b2)
    h = _batch_norm(h, gamma2, beta2)
    h = jax.nn.relu(h)
    return h

if __name__ == "__main__":
    import jax
    _d = setup_inputs()
    print(jax.jit(kernel)(*tuple(_d.values())))

</pallas_src>

<mosaic_0001>
#map = affine_map<(d0, d1) -> (0, 0)>
module attributes {stable_mosaic.version = 14 : i64} {
  func.func @_agg_body(%arg0: i32, %arg1: i32, %arg2: memref<10240x128xf32, #tpu.memory_space<hbm>>, %arg3: memref<2568x128xi32, #tpu.memory_space<hbm>>, %arg4: memref<2568x128xi32, #tpu.memory_space<hbm>>, %arg5: memref<640x128xf32, #tpu.memory_space<hbm>>, %arg6: memref<20480x128xf32, #tpu.memory_space<hbm>>, %arg7: memref<84x128xi32, #tpu.memory_space<vmem>>, %arg8: memref<128xi32, #tpu.memory_space<vmem>>, %arg9: memref<128xi32, #tpu.memory_space<vmem>>, %arg10: memref<128x128xf32, #tpu.memory_space<vmem>>, %arg11: memref<128x128xf32, #tpu.memory_space<vmem>>, %arg12: memref<!tpu.dma_semaphore, #tpu.memory_space<semaphore_mem>>, %arg13: memref<!tpu.dma_semaphore, #tpu.memory_space<semaphore_mem>>, %arg14: memref<!tpu.dma_semaphore, #tpu.memory_space<semaphore_mem>>, %arg15: memref<!tpu.dma_semaphore, #tpu.memory_space<semaphore_mem>>, %arg16: memref<10240x128xf32, #tpu.memory_space<vmem_shared>>) attributes {dimension_semantics = [#tpu.dimension_semantics<core_parallel>, #tpu.dimension_semantics<subcore_parallel>], iteration_bounds = array<i64: 2, 16>, scalar_prefetch = 0 : i64, scratch_operands = 10 : i64, tpu.core_type = #tpu.core_type<sc_vector_subcore>, window_params = [{transform_indices = #map}, {transform_indices = #map}, {transform_indices = #map}, {transform_indices = #map}, {transform_indices = #map}]} {
    %eq3A = arith.constant 0 : i32
    %eq3A_0 = arith.cmpi eq, %arg0, %eq3A : i32
    %jit3A = arith.constant 84 : i32
    %jit3A_1 = arith.constant 76 : i32
    %select_n3A = arith.select %eq3A_0, %jit3A, %jit3A_1 : i32
    %eq3A_2 = arith.constant 0 : i32
    %eq3A_3 = arith.cmpi eq, %arg0, %eq3A_2 : i32
    %mul3A = arith.constant 84 : i32
    %mul3A_4 = arith.muli %arg1, %mul3A : i32
    %mul3A_5 = arith.constant 76 : i32
    %mul3A_6 = arith.muli %arg1, %mul3A_5 : i32
    %add3A = arith.constant 1344 : i32
    %add3A_7 = arith.addi %add3A, %mul3A_6 : i32
    %select_n3A_8 = arith.select %eq3A_3, %mul3A_4, %add3A_7 : i32
    %mul3A_9 = arith.constant 640 : i32
    %mul3A_10 = arith.muli %arg1, %mul3A_9 : i32
    "tpu.region"() ({
      %run_scoped3A = tpu.sem_alloc : memref<!tpu.dma_semaphore, #tpu.memory_space<semaphore_mem>>
      %dma_start3A_56 = arith.constant 0 : i32
      %dma_start3A_57 = tpu.memref_slice %arg16[%mul3A_10, %dma_start3A_56] : memref<10240x128xf32, #tpu.memory_space<vmem_shared>> -> memref<640x128xf32, #tpu.memory_space<vmem_shared>>
      tpu.enqueue_dma source(%arg5 : memref<640x128xf32, #tpu.memory_space<hbm>>) target(%dma_start3A_57 : memref<640x128xf32, #tpu.memory_space<vmem_shared>>) target_semaphore(%run_scoped3A : memref<!tpu.dma_semaphore, #tpu.memory_space<semaphore_mem>>)
      %dma_wait3A = arith.constant 0 : i32
      %dma_wait3A_58 = tpu.memref_slice %arg16[%mul3A_10, %dma_wait3A] : memref<10240x128xf32, #tpu.memory_space<vmem_shared>> -> memref<640x128xf32, #tpu.memory_space<vmem_shared>>
      tpu.wait_dma2 semaphore(%run_scoped3A : memref<!tpu.dma_semaphore, #tpu.memory_space<semaphore_mem>>) src(%arg5 : memref<640x128xf32, #tpu.memory_space<hbm>>) dst(%dma_wait3A_58 : memref<640x128xf32, #tpu.memory_space<vmem_shared>>)
      tpu.yield
    }) : () -> ()
    "tpu.region"() ({
      %run_scoped3A = tpu.sem_alloc : memref<!tpu.dma_semaphore, #tpu.memory_space<semaphore_mem>>
      %dma_start3A_56 = arith.constant 0 : i32
      %dma_start3A_57 = tpu.memref_slice %arg3[%select_n3A_8, %dma_start3A_56] : memref<2568x128xi32, #tpu.memory_space<hbm>> -> memref<84x128xi32, #tpu.memory_space<hbm>>
      %dma_start3A_58 = arith.constant 0 : i32
      %dma_start3A_59 = tpu.memref_slice %arg3[%select_n3A_8, %dma_start3A_58] : memref<2568x128xi32, #tpu.memory_space<hbm>> -> memref<84x128xi32, #tpu.memory_space<hbm>>
      tpu.enqueue_dma source(%dma_start3A_59 : memref<84x128xi32, #tpu.memory_space<hbm>>) target(%arg7 : memref<84x128xi32, #tpu.memory_space<vmem>>) target_semaphore(%run_scoped3A : memref<!tpu.dma_semaphore, #tpu.memory_space<semaphore_mem>>)
      %dma_wait3A = arith.constant 0 : i32
      %dma_wait3A_60 = tpu.memref_slice %arg3[%select_n3A_8, %dma_wait3A] : memref<2568x128xi32, #tpu.memory_space<hbm>> -> memref<84x128xi32, #tpu.memory_space<hbm>>
      %dma_wait3A_61 = arith.constant 0 : i32
      %dma_wait3A_62 = tpu.memref_slice %arg3[%select_n3A_8, %dma_wait3A_61] : memref<2568x128xi32, #tpu.memory_space<hbm>> -> memref<84x128xi32, #tpu.memory_space<hbm>>
      tpu.wait_dma2 semaphore(%run_scoped3A : memref<!tpu.dma_semaphore, #tpu.memory_space<semaphore_mem>>) src(%dma_wait3A_62 : memref<84x128xi32, #tpu.memory_space<hbm>>) dst(%arg7 : memref<84x128xi32, #tpu.memory_space<vmem>>)
      tpu.yield
    }) : () -> ()
    %barrier3A = arith.constant 0 : index
    tpu.barrier barrier_id(%barrier3A)
    %dma_start3A = arith.constant 0 : i32
    %dma_start3A_11 = arith.constant 0 : i32
    %dma_start3A_12 = tpu.memref_slice %arg7[%dma_start3A, %dma_start3A_11] : memref<84x128xi32, #tpu.memory_space<vmem>> -> memref<1x128xi32, #tpu.memory_space<vmem>>
    %dma_start3A_13 = tpu.memref_squeeze %dma_start3A_12 : memref<1x128xi32, #tpu.memory_space<vmem>> -> memref<128xi32, #tpu.memory_space<vmem>>
    %dma_start3A_14 = arith.constant 0 : i32
    %dma_start3A_15 = arith.constant 0 : i32
    %dma_start3A_16 = tpu.memref_slice %arg2[%dma_start3A_14, %dma_start3A_15] : memref<10240x128xf32, #tpu.memory_space<hbm>> -> memref<10240x128xf32, #tpu.memory_space<hbm>>
    tpu.enqueue_indirect_dma source(%dma_start3A_16 : memref<10240x128xf32, #tpu.memory_space<hbm>>) target(%arg10 : memref<128x128xf32, #tpu.memory_space<vmem>>) offsets(%dma_start3A_13 : memref<128xi32, #tpu.memory_space<vmem>>) semaphore(%arg12 : memref<!tpu.dma_semaphore, #tpu.memory_space<semaphore_mem>>)
    %add3A_17 = arith.constant 0 : i32
    %add3A_18 = arith.addi %add3A_17, %select_n3A_8 : i32
    %dma_start3A_19 = arith.constant 0 : i32
    %dma_start3A_20 = tpu.memref_slice %arg4[%add3A_18, %dma_start3A_19] : memref<2568x128xi32, #tpu.memory_space<hbm>> -> memref<1x128xi32, #tpu.memory_space<hbm>>
    %dma_start3A_21 = tpu.memref_squeeze %dma_start3A_20 : memref<1x128xi32, #tpu.memory_space<hbm>> -> memref<128xi32, #tpu.memory_space<hbm>>
    %dma_start3A_22 = arith.constant 0 : i32
    %dma_start3A_23 = tpu.memref_slice %arg4[%add3A_18, %dma_start3A_22] : memref<2568x128xi32, #tpu.memory_space<hbm>> -> memref<1x128xi32, #tpu.memory_space<hbm>>
    %dma_start3A_24 = tpu.memref_squeeze %dma_start3A_23 : memref<1x128xi32, #tpu.memory_space<hbm>> -> memref<128xi32, #tpu.memory_space<hbm>>
    tpu.enqueue_dma source(%dma_start3A_24 : memref<128xi32, #tpu.memory_space<hbm>>) target(%arg8 : memref<128xi32, #tpu.memory_space<vmem>>) target_semaphore(%arg14 : memref<!tpu.dma_semaphore, #tpu.memory_space<semaphore_mem>>)
    %jit3A_25 = arith.constant 2 : i32
    %div3A = arith.divsi %select_n3A, %jit3A_25 : i32
    %sign3A = arith.constant 0 : i32
    %sign3A_26 = arith.cmpi sgt, %select_n3A, %sign3A : i32
    %sign3A_27 = arith.extui %sign3A_26 : i1 to i32
    %sign3A_28 = arith.constant 0 : i32
    %sign3A_29 = arith.cmpi slt, %select_n3A, %sign3A_28 : i32
    %sign3A_30 = arith.extui %sign3A_29 : i1 to i32
    %sign3A_31 = arith.subi %sign3A_27, %sign3A_30 : i32
    %sign3A_32 = arith.constant 0 : i32
    %sign3A_33 = arith.cmpi sgt, %jit3A_25, %sign3A_32 : i32
    %sign3A_34 = arith.extui %sign3A_33 : i1 to i32
    %sign3A_35 = arith.constant 0 : i32
    %sign3A_36 = arith.cmpi slt, %jit3A_25, %sign3A_35 : i32
    %sign3A_37 = arith.extui %sign3A_36 : i1 to i32
    %sign3A_38 = arith.subi %sign3A_34, %sign3A_37 : i32
    %ne3A = arith.cmpi ne, %sign3A_31, %sign3A_38 : i32
    %rem3A = arith.remsi %select_n3A, %jit3A_25 : i32
    %ne3A_39 = arith.constant 0 : i32
    %ne3A_40 = arith.cmpi ne, %rem3A, %ne3A_39 : i32
    %and3A = arith.andi %ne3A, %ne3A_40 : i1
    %sub3A = arith.constant 1 : i32
    %sub3A_41 = arith.subi %div3A, %sub3A : i32
    %select_n3A_42 = arith.select %and3A, %sub3A_41, %div3A : i32
    %while3A = arith.constant 0 : i32
    %while3A_43 = arith.constant 0 : i32
    %while3A_44 = arith.subi %select_n3A_42, %while3A_43 : i32
    %while3A_45 = arith.addi %while3A_43, %while3A_44 : i32
    %while3A_46 = arith.constant 1 : i32
    %while3A_47 = arith.divsi %while3A_44, %while3A_46 : i32
    %while3A_48 = arith.muli %while3A_47, %while3A_46 : i32
    %while3A_49 = arith.addi %while3A_43, %while3A_48 : i32
    %while3A_50 = arith.constant 1 : i32
    scf.for %while3A_56 = %while3A_43 to %while3A_49 step %while3A_50  : i32 {
      %mul3A_57 = arith.constant 2 : i32
      %mul3A_58 = arith.muli %while3A_56, %mul3A_57 : i32
      %add3A_59 = arith.constant 0 : i32
      %add3A_60 = arith.addi %mul3A_58, %add3A_59 : i32
      %add3A_61 = arith.constant 1 : i32
      %add3A_62 = arith.addi %add3A_60, %add3A_61 : i32
      %lt3A = arith.cmpi slt, %add3A_62, %select_n3A : i32
      %convert_element_type3A = arith.extui %lt3A : i1 to i32
      %cond3A = arith.constant 0 : i32
      %cond3A_63 = arith.cmpi ne, %convert_element_type3A, %cond3A : i32
      scf.if %cond3A_63 {
        %add3A_99 = arith.constant 1 : i32
        %add3A_100 = arith.addi %add3A_60, %add3A_99 : i32
        %dma_start3A_101 = arith.constant 0 : i32
        %dma_start3A_102 = tpu.memref_slice %arg7[%add3A_100, %dma_start3A_101] : memref<84x128xi32, #tpu.memory_space<vmem>> -> memref<1x128xi32, #tpu.memory_space<vmem>>
        %dma_start3A_103 = tpu.memref_squeeze %dma_start3A_102 : memref<1x128xi32, #tpu.memory_space<vmem>> -> memref<128xi32, #tpu.memory_space<vmem>>
        %dma_start3A_104 = arith.constant 0 : i32
        %dma_start3A_105 = arith.constant 0 : i32
        %dma_start3A_106 = tpu.memref_slice %arg2[%dma_start3A_104, %dma_start3A_105] : memref<10240x128xf32, #tpu.memory_space<hbm>> -> memref<10240x128xf32, #tpu.memory_space<hbm>>
        tpu.enqueue_indirect_dma source(%dma_start3A_106 : memref<10240x128xf32, #tpu.memory_space<hbm>>) target(%arg11 : memref<128x128xf32, #tpu.memory_space<vmem>>) offsets(%dma_start3A_103 : memref<128xi32, #tpu.memory_space<vmem>>) semaphore(%arg13 : memref<!tpu.dma_semaphore, #tpu.memory_space<semaphore_mem>>)
        %add3A_107 = arith.constant 1 : i32
        %add3A_108 = arith.addi %add3A_60, %add3A_107 : i32
        %add3A_109 = arith.addi %add3A_108, %select_n3A_8 : i32
        %dma_start3A_110 = arith.constant 0 : i32
        %dma_start3A_111 = tpu.memref_slice %arg4[%add3A_109, %dma_start3A_110] : memref<2568x128xi32, #tpu.memory_space<hbm>> -> memref<1x128xi32, #tpu.memory_space<hbm>>
        %dma_start3A_112 = tpu.memref_squeeze %dma_start3A_111 : memref<1x128xi32, #tpu.memory_space<hbm>> -> memref<128xi32, #tpu.memory_space<hbm>>
        %dma_start3A_113 = arith.constant 0 : i32
        %dma_start3A_114 = tpu.memref_slice %arg4[%add3A_109, %dma_start3A_113] : memref<2568x128xi32, #tpu.memory_space<hbm>> -> memref<1x128xi32, #tpu.memory_space<hbm>>
        %dma_start3A_115 = tpu.memref_squeeze %dma_start3A_114 : memref<1x128xi32, #tpu.memory_space<hbm>> -> memref<128xi32, #tpu.memory_space<hbm>>
        tpu.enqueue_dma source(%dma_start3A_115 : memref<128xi32, #tpu.memory_space<hbm>>) target(%arg9 : memref<128xi32, #tpu.memory_space<vmem>>) target_semaphore(%arg15 : memref<!tpu.dma_semaphore, #tpu.memory_space<semaphore_mem>>)
      } else {
      }
      %dma_wait3A = arith.constant 0 : i32
      %dma_wait3A_64 = tpu.memref_slice %arg7[%add3A_60, %dma_wait3A] : memref<84x128xi32, #tpu.memory_space<vmem>> -> memref<1x128xi32, #tpu.memory_space<vmem>>
      %dma_wait3A_65 = tpu.memref_squeeze %dma_wait3A_64 : memref<1x128xi32, #tpu.memory_space<vmem>> -> memref<128xi32, #tpu.memory_space<vmem>>
      %dma_wait3A_66 = arith.constant 0 : i32
      %dma_wait3A_67 = arith.constant 0 : i32
      %dma_wait3A_68 = tpu.memref_slice %arg2[%dma_wait3A_66, %dma_wait3A_67] : memref<10240x128xf32, #tpu.memory_space<hbm>> -> memref<10240x128xf32, #tpu.memory_space<hbm>>
      tpu.wait_indirect_dma semaphore(%arg12 : memref<!tpu.dma_semaphore, #tpu.memory_space<semaphore_mem>>) src(%dma_wait3A_68 : memref<10240x128xf32, #tpu.memory_space<hbm>>) dst(%arg10 : memref<128x128xf32, #tpu.memory_space<vmem>>)
      %add3A_69 = arith.addi %add3A_60, %select_n3A_8 : i32
      %dma_wait3A_70 = arith.constant 0 : i32
      %dma_wait3A_71 = tpu.memref_slice %arg4[%add3A_69, %dma_wait3A_70] : memref<2568x128xi32, #tpu.memory_space<hbm>> -> memref<1x128xi32, #tpu.memory_space<hbm>>
      %dma_wait3A_72 = tpu.memref_squeeze %dma_wait3A_71 : memref<1x128xi32, #tpu.memory_space<hbm>> -> memref<128xi32, #tpu.memory_space<hbm>>
      %dma_wait3A_73 = arith.constant 0 : i32
      %dma_wait3A_74 = tpu.memref_slice %arg4[%add3A_69, %dma_wait3A_73] : memref<2568x128xi32, #tpu.memory_space<hbm>> -> memref<1x128xi32, #tpu.memory_space<hbm>>
      %dma_wait3A_75 = tpu.memref_squeeze %dma_wait3A_74 : memref<1x128xi32, #tpu.memory_space<hbm>> -> memref<128xi32, #tpu.memory_space<hbm>>
      tpu.wait_dma2 semaphore(%arg14 : memref<!tpu.dma_semaphore, #tpu.memory_space<semaphore_mem>>) src(%dma_wait3A_75 : memref<128xi32, #tpu.memory_space<hbm>>) dst(%arg8 : memref<128xi32, #tpu.memory_space<vmem>>)
      "tpu.region"() ({
        %run_scoped3A = tpu.sem_alloc : memref<!tpu.dma_semaphore, #tpu.memory_space<semaphore_mem>>
        %dma_start3A_99 = arith.constant 0 : i32
        %dma_start3A_100 = arith.constant 0 : i32
        %dma_start3A_101 = tpu.memref_slice %arg16[%dma_start3A_99, %dma_start3A_100] : memref<10240x128xf32, #tpu.memory_space<vmem_shared>> -> memref<10240x128xf32, #tpu.memory_space<vmem_shared>>
        tpu.enqueue_indirect_dma source(%arg10 : memref<128x128xf32, #tpu.memory_space<vmem>>) target(%dma_start3A_101 : memref<10240x128xf32, #tpu.memory_space<vmem_shared>>) offsets(%arg8 : memref<128xi32, #tpu.memory_space<vmem>>) semaphore(%run_scoped3A : memref<!tpu.dma_semaphore, #tpu.memory_space<semaphore_mem>>) {add = true}
        %dma_wait3A_102 = arith.constant 0 : i32
        %dma_wait3A_103 = arith.constant 0 : i32
        %dma_wait3A_104 = tpu.memref_slice %arg16[%dma_wait3A_102, %dma_wait3A_103] : memref<10240x128xf32, #tpu.memory_space<vmem_shared>> -> memref<10240x128xf32, #tpu.memory_space<vmem_shared>>
        tpu.wait_indirect_dma semaphore(%run_scoped3A : memref<!tpu.dma_semaphore, #tpu.memory_space<semaphore_mem>>) src(%arg10 : memref<128x128xf32, #tpu.memory_space<vmem>>) dst(%dma_wait3A_104 : memref<10240x128xf32, #tpu.memory_space<vmem_shared>>)
        tpu.yield
      }) : () -> ()
      %mul3A_76 = arith.constant 2 : i32
      %mul3A_77 = arith.muli %while3A_56, %mul3A_76 : i32
      %add3A_78 = arith.constant 1 : i32
      %add3A_79 = arith.addi %mul3A_77, %add3A_78 : i32
      %add3A_80 = arith.constant 1 : i32
      %add3A_81 = arith.addi %add3A_79, %add3A_80 : i32
      %lt3A_82 = arith.cmpi slt, %add3A_81, %select_n3A : i32
      %convert_element_type3A_83 = arith.extui %lt3A_82 : i1 to i32
      %cond3A_84 = arith.constant 0 : i32
      %cond3A_85 = arith.cmpi ne, %convert_element_type3A_83, %cond3A_84 : i32
      scf.if %cond3A_85 {
        %add3A_99 = arith.constant 1 : i32
        %add3A_100 = arith.addi %add3A_79, %add3A_99 : i32
        %dma_start3A_101 = arith.constant 0 : i32
        %dma_start3A_102 = tpu.memref_slice %arg7[%add3A_100, %dma_start3A_101] : memref<84x128xi32, #tpu.memory_space<vmem>> -> memref<1x128xi32, #tpu.memory_space<vmem>>
        %dma_start3A_103 = tpu.memref_squeeze %dma_start3A_102 : memref<1x128xi32, #tpu.memory_space<vmem>> -> memref<128xi32, #tpu.memory_space<vmem>>
        %dma_start3A_104 = arith.constant 0 : i32
        %dma_start3A_105 = arith.constant 0 : i32
        %dma_start3A_106 = tpu.memref_slice %arg2[%dma_start3A_104, %dma_start3A_105] : memref<10240x128xf32, #tpu.memory_space<hbm>> -> memref<10240x128xf32, #tpu.memory_space<hbm>>
        tpu.enqueue_indirect_dma source(%dma_start3A_106 : memref<10240x128xf32, #tpu.memory_space<hbm>>) target(%arg10 : memref<128x128xf32, #tpu.memory_space<vmem>>) offsets(%dma_start3A_103 : memref<128xi32, #tpu.memory_space<vmem>>) semaphore(%arg12 : memref<!tpu.dma_semaphore, #tpu.memory_space<semaphore_mem>>)
        %add3A_107 = arith.constant 1 : i32
        %add3A_108 = arith.addi %add3A_79, %add3A_107 : i32
        %add3A_109 = arith.addi %add3A_108, %select_n3A_8 : i32
        %dma_start3A_110 = arith.constant 0 : i32
        %dma_start3A_111 = tpu.memref_slice %arg4[%add3A_109, %dma_start3A_110] : memref<2568x128xi32, #tpu.memory_space<hbm>> -> memref<1x128xi32, #tpu.memory_space<hbm>>
        %dma_start3A_112 = tpu.memref_squeeze %dma_start3A_111 : memref<1x128xi32, #tpu.memory_space<hbm>> -> memref<128xi32, #tpu.memory_space<hbm>>
        %dma_start3A_113 = arith.constant 0 : i32
        %dma_start3A_114 = tpu.memref_slice %arg4[%add3A_109, %dma_start3A_113] : memref<2568x128xi32, #tpu.memory_space<hbm>> -> memref<1x128xi32, #tpu.memory_space<hbm>>
        %dma_start3A_115 = tpu.memref_squeeze %dma_start3A_114 : memref<1x128xi32, #tpu.memory_space<hbm>> -> memref<128xi32, #tpu.memory_space<hbm>>
        tpu.enqueue_dma source(%dma_start3A_115 : memref<128xi32, #tpu.memory_space<hbm>>) target(%arg8 : memref<128xi32, #tpu.memory_space<vmem>>) target_semaphore(%arg14 : memref<!tpu.dma_semaphore, #tpu.memory_space<semaphore_mem>>)
      } else {
      }
      %dma_wait3A_86 = arith.constant 0 : i32
      %dma_wait3A_87 = tpu.memref_slice %arg7[%add3A_79, %dma_wait3A_86] : memref<84x128xi32, #tpu.memory_space<vmem>> -> memref<1x128xi32, #tpu.memory_space<vmem>>
      %dma_wait3A_88 = tpu.memref_squeeze %dma_wait3A_87 : memref<1x128xi32, #tpu.memory_space<vmem>> -> memref<128xi32, #tpu.memory_space<vmem>>
      %dma_wait3A_89 = arith.constant 0 : i32
      %dma_wait3A_90 = arith.constant 0 : i32
      %dma_wait3A_91 = tpu.memref_slice %arg2[%dma_wait3A_89, %dma_wait3A_90] : memref<10240x128xf32, #tpu.memory_space<hbm>> -> memref<10240x128xf32, #tpu.memory_space<hbm>>
      tpu.wait_indirect_dma semaphore(%arg13 : memref<!tpu.dma_semaphore, #tpu.memory_space<semaphore_mem>>) src(%dma_wait3A_91 : memref<10240x128xf32, #tpu.memory_space<hbm>>) dst(%arg11 : memref<128x128xf32, #tpu.memory_space<vmem>>)
      %add3A_92 = arith.addi %add3A_79, %select_n3A_8 : i32
      %dma_wait3A_93 = arith.constant 0 : i32
      %dma_wait3A_94 = tpu.memref_slice %arg4[%add3A_92, %dma_wait3A_93] : memref<2568x128xi32, #tpu.memory_space<hbm>> -> memref<1x128xi32, #tpu.memory_space<hbm>>
      %dma_wait3A_95 = tpu.memref_squeeze %dma_wait3A_94 : memref<1x128xi32, #tpu.memory_space<hbm>> -> memref<128xi32, #tpu.memory_space<hbm>>
      %dma_wait3A_96 = arith.constant 0 : i32
      %dma_wait3A_97 = tpu.memref_slice %arg4[%add3A_92, %dma_wait3A_96] : memref<2568x128xi32, #tpu.memory_space<hbm>> -> memref<1x128xi32, #tpu.memory_space<hbm>>
      %dma_wait3A_98 = tpu.memref_squeeze %dma_wait3A_97 : memref<1x128xi32, #tpu.memory_space<hbm>> -> memref<128xi32, #tpu.memory_space<hbm>>
      tpu.wait_dma2 semaphore(%arg15 : memref<!tpu.dma_semaphore, #tpu.memory_space<semaphore_mem>>) src(%dma_wait3A_98 : memref<128xi32, #tpu.memory_space<hbm>>) dst(%arg9 : memref<128xi32, #tpu.memory_space<vmem>>)
      "tpu.region"() ({
        %run_scoped3A = tpu.sem_alloc : memref<!tpu.dma_semaphore, #tpu.memory_space<semaphore_mem>>
        %dma_start3A_99 = arith.constant 0 : i32
        %dma_start3A_100 = arith.constant 0 : i32
        %dma_start3A_101 = tpu.memref_slice %arg16[%dma_start3A_99, %dma_start3A_100] : memref<10240x128xf32, #tpu.memory_space<vmem_shared>> -> memref<10240x128xf32, #tpu.memory_space<vmem_shared>>
        tpu.enqueue_indirect_dma source(%arg11 : memref<128x128xf32, #tpu.memory_space<vmem>>) target(%dma_start3A_101 : memref<10240x128xf32, #tpu.memory_space<vmem_shared>>) offsets(%arg9 : memref<128xi32, #tpu.memory_space<vmem>>) semaphore(%run_scoped3A : memref<!tpu.dma_semaphore, #tpu.memory_space<semaphore_mem>>) {add = true}
        %dma_wait3A_102 = arith.constant 0 : i32
        %dma_wait3A_103 = arith.constant 0 : i32
        %dma_wait3A_104 = tpu.memref_slice %arg16[%dma_wait3A_102, %dma_wait3A_103] : memref<10240x128xf32, #tpu.memory_space<vmem_shared>> -> memref<10240x128xf32, #tpu.memory_space<vmem_shared>>
        tpu.wait_indirect_dma semaphore(%run_scoped3A : memref<!tpu.dma_semaphore, #tpu.memory_space<semaphore_mem>>) src(%arg11 : memref<128x128xf32, #tpu.memory_space<vmem>>) dst(%dma_wait3A_104 : memref<10240x128xf32, #tpu.memory_space<vmem_shared>>)
        tpu.yield
      }) : () -> ()
    }
    %while3A_51 = arith.constant 1 : i32
    scf.for %while3A_56 = %while3A_49 to %while3A_45 step %while3A_51  : i32 {
      %mul3A_57 = arith.constant 2 : i32
      %mul3A_58 = arith.muli %while3A_56, %mul3A_57 : i32
      %add3A_59 = arith.constant 0 : i32
      %add3A_60 = arith.addi %mul3A_58, %add3A_59 : i32
      %add3A_61 = arith.constant 1 : i32
      %add3A_62 = arith.addi %add3A_60, %add3A_61 : i32
      %lt3A = arith.cmpi slt, %add3A_62, %select_n3A : i32
      %convert_element_type3A = arith.extui %lt3A : i1 to i32
      %cond3A = arith.constant 0 : i32
      %cond3A_63 = arith.cmpi ne, %convert_element_type3A, %cond3A : i32
      scf.if %cond3A_63 {
        %add3A_99 = arith.constant 1 : i32
        %add3A_100 = arith.addi %add3A_60, %add3A_99 : i32
        %dma_start3A_101 = arith.constant 0 : i32
        %dma_start3A_102 = tpu.memref_slice %arg7[%add3A_100, %dma_start3A_101] : memref<84x128xi32, #tpu.memory_space<vmem>> -> memref<1x128xi32, #tpu.memory_space<vmem>>
        %dma_start3A_103 = tpu.memref_squeeze %dma_start3A_102 : memref<1x128xi32, #tpu.memory_space<vmem>> -> memref<128xi32, #tpu.memory_space<vmem>>
        %dma_start3A_104 = arith.constant 0 : i32
        %dma_start3A_105 = arith.constant 0 : i32
        %dma_start3A_106 = tpu.memref_slice %arg2[%dma_start3A_104, %dma_start3A_105] : memref<10240x128xf32, #tpu.memory_space<hbm>> -> memref<10240x128xf32, #tpu.memory_space<hbm>>
        tpu.enqueue_indirect_dma source(%dma_start3A_106 : memref<10240x128xf32, #tpu.memory_space<hbm>>) target(%arg11 : memref<128x128xf32, #tpu.memory_space<vmem>>) offsets(%dma_start3A_103 : memref<128xi32, #tpu.memory_space<vmem>>) semaphore(%arg13 : memref<!tpu.dma_semaphore, #tpu.memory_space<semaphore_mem>>)
        %add3A_107 = arith.constant 1 : i32
        %add3A_108 = arith.addi %add3A_60, %add3A_107 : i32
        %add3A_109 = arith.addi %add3A_108, %select_n3A_8 : i32
        %dma_start3A_110 = arith.constant 0 : i32
        %dma_start3A_111 = tpu.memref_slice %arg4[%add3A_109, %dma_start3A_110] : memref<2568x128xi32, #tpu.memory_space<hbm>> -> memref<1x128xi32, #tpu.memory_space<hbm>>
        %dma_start3A_112 = tpu.memref_squeeze %dma_start3A_111 : memref<1x128xi32, #tpu.memory_space<hbm>> -> memref<128xi32, #tpu.memory_space<hbm>>
        %dma_start3A_113 = arith.constant 0 : i32
        %dma_start3A_114 = tpu.memref_slice %arg4[%add3A_109, %dma_start3A_113] : memref<2568x128xi32, #tpu.memory_space<hbm>> -> memref<1x128xi32, #tpu.memory_space<hbm>>
        %dma_start3A_115 = tpu.memref_squeeze %dma_start3A_114 : memref<1x128xi32, #tpu.memory_space<hbm>> -> memref<128xi32, #tpu.memory_space<hbm>>
        tpu.enqueue_dma source(%dma_start3A_115 : memref<128xi32, #tpu.memory_space<hbm>>) target(%arg9 : memref<128xi32, #tpu.memory_space<vmem>>) target_semaphore(%arg15 : memref<!tpu.dma_semaphore, #tpu.memory_space<semaphore_mem>>)
      } else {
      }
      %dma_wait3A = arith.constant 0 : i32
      %dma_wait3A_64 = tpu.memref_slice %arg7[%add3A_60, %dma_wait3A] : memref<84x128xi32, #tpu.memory_space<vmem>> -> memref<1x128xi32, #tpu.memory_space<vmem>>
      %dma_wait3A_65 = tpu.memref_squeeze %dma_wait3A_64 : memref<1x128xi32, #tpu.memory_space<vmem>> -> memref<128xi32, #tpu.memory_space<vmem>>
      %dma_wait3A_66 = arith.constant 0 : i32
      %dma_wait3A_67 = arith.constant 0 : i32
      %dma_wait3A_68 = tpu.memref_slice %arg2[%dma_wait3A_66, %dma_wait3A_67] : memref<10240x128xf32, #tpu.memory_space<hbm>> -> memref<10240x128xf32, #tpu.memory_space<hbm>>
      tpu.wait_indirect_dma semaphore(%arg12 : memref<!tpu.dma_semaphore, #tpu.memory_space<semaphore_mem>>) src(%dma_wait3A_68 : memref<10240x128xf32, #tpu.memory_space<hbm>>) dst(%arg10 : memref<128x128xf32, #tpu.memory_space<vmem>>)
      %add3A_69 = arith.addi %add3A_60, %select_n3A_8 : i32
      %dma_wait3A_70 = arith.constant 0 : i32
      %dma_wait3A_71 = tpu.memref_slice %arg4[%add3A_69, %dma_wait3A_70] : memref<2568x128xi32, #tpu.memory_space<hbm>> -> memref<1x128xi32, #tpu.memory_space<hbm>>
      %dma_wait3A_72 = tpu.memref_squeeze %dma_wait3A_71 : memref<1x128xi32, #tpu.memory_space<hbm>> -> memref<128xi32, #tpu.memory_space<hbm>>
      %dma_wait3A_73 = arith.constant 0 : i32
      %dma_wait3A_74 = tpu.memref_slice %arg4[%add3A_69, %dma_wait3A_73] : memref<2568x128xi32, #tpu.memory_space<hbm>> -> memref<1x128xi32, #tpu.memory_space<hbm>>
      %dma_wait3A_75 = tpu.memref_squeeze %dma_wait3A_74 : memref<1x128xi32, #tpu.memory_space<hbm>> -> memref<128xi32, #tpu.memory_space<hbm>>
      tpu.wait_dma2 semaphore(%arg14 : memref<!tpu.dma_semaphore, #tpu.memory_space<semaphore_mem>>) src(%dma_wait3A_75 : memref<128xi32, #tpu.memory_space<hbm>>) dst(%arg8 : memref<128xi32, #tpu.memory_space<vmem>>)
      "tpu.region"() ({
        %run_scoped3A = tpu.sem_alloc : memref<!tpu.dma_semaphore, #tpu.memory_space<semaphore_mem>>
        %dma_start3A_99 = arith.constant 0 : i32
        %dma_start3A_100 = arith.constant 0 : i32
        %dma_start3A_101 = tpu.memref_slice %arg16[%dma_start3A_99, %dma_start3A_100] : memref<10240x128xf32, #tpu.memory_space<vmem_shared>> -> memref<10240x128xf32, #tpu.memory_space<vmem_shared>>
        tpu.enqueue_indirect_dma source(%arg10 : memref<128x128xf32, #tpu.memory_space<vmem>>) target(%dma_start3A_101 : memref<10240x128xf32, #tpu.memory_space<vmem_shared>>) offsets(%arg8 : memref<128xi32, #tpu.memory_space<vmem>>) semaphore(%run_scoped3A : memref<!tpu.dma_semaphore, #tpu.memory_space<semaphore_mem>>) {add = true}
        %dma_wait3A_102 = arith.constant 0 : i32
        %dma_wait3A_103 = arith.constant 0 : i32
        %dma_wait3A_104 = tpu.memref_slice %arg16[%dma_wait3A_102, %dma_wait3A_103] : memref<10240x128xf32, #tpu.memory_space<vmem_shared>> -> memref<10240x128xf32, #tpu.memory_space<vmem_shared>>
        tpu.wait_indirect_dma semaphore(%run_scoped3A : memref<!tpu.dma_semaphore, #tpu.memory_space<semaphore_mem>>) src(%arg10 : memref<128x128xf32, #tpu.memory_space<vmem>>) dst(%dma_wait3A_104 : memref<10240x128xf32, #tpu.memory_space<vmem_shared>>)
        tpu.yield
      }) : () -> ()
      %mul3A_76 = arith.constant 2 : i32
      %mul3A_77 = arith.muli %while3A_56, %mul3A_76 : i32
      %add3A_78 = arith.constant 1 : i32
      %add3A_79 = arith.addi %mul3A_77, %add3A_78 : i32
      %add3A_80 = arith.constant 1 : i32
      %add3A_81 = arith.addi %add3A_79, %add3A_80 : i32
      %lt3A_82 = arith.cmpi slt, %add3A_81, %select_n3A : i32
      %convert_element_type3A_83 = arith.extui %lt3A_82 : i1 to i32
      %cond3A_84 = arith.constant 0 : i32
      %cond3A_85 = arith.cmpi ne, %convert_element_type3A_83, %cond3A_84 : i32
      scf.if %cond3A_85 {
        %add3A_99 = arith.constant 1 : i32
        %add3A_100 = arith.addi %add3A_79, %add3A_99 : i32
        %dma_start3A_101 = arith.constant 0 : i32
        %dma_start3A_102 = tpu.memref_slice %arg7[%add3A_100, %dma_start3A_101] : memref<84x128xi32, #tpu.memory_space<vmem>> -> memref<1x128xi32, #tpu.memory_space<vmem>>
        %dma_start3A_103 = tpu.memref_squeeze %dma_start3A_102 : memref<1x128xi32, #tpu.memory_space<vmem>> -> memref<128xi32, #tpu.memory_space<vmem>>
        %dma_start3A_104 = arith.constant 0 : i32
        %dma_start3A_105 = arith.constant 0 : i32
        %dma_start3A_106 = tpu.memref_slice %arg2[%dma_start3A_104, %dma_start3A_105] : memref<10240x128xf32, #tpu.memory_space<hbm>> -> memref<10240x128xf32, #tpu.memory_space<hbm>>
        tpu.enqueue_indirect_dma source(%dma_start3A_106 : memref<10240x128xf32, #tpu.memory_space<hbm>>) target(%arg10 : memref<128x128xf32, #tpu.memory_space<vmem>>) offsets(%dma_start3A_103 : memref<128xi32, #tpu.memory_space<vmem>>) semaphore(%arg12 : memref<!tpu.dma_semaphore, #tpu.memory_space<semaphore_mem>>)
        %add3A_107 = arith.constant 1 : i32
        %add3A_108 = arith.addi %add3A_79, %add3A_107 : i32
        %add3A_109 = arith.addi %add3A_108, %select_n3A_8 : i32
        %dma_start3A_110 = arith.constant 0 : i32
        %dma_start3A_111 = tpu.memref_slice %arg4[%add3A_109, %dma_start3A_110] : memref<2568x128xi32, #tpu.memory_space<hbm>> -> memref<1x128xi32, #tpu.memory_space<hbm>>
        %dma_start3A_112 = tpu.memref_squeeze %dma_start3A_111 : memref<1x128xi32, #tpu.memory_space<hbm>> -> memref<128xi32, #tpu.memory_space<hbm>>
        %dma_start3A_113 = arith.constant 0 : i32
        %dma_start3A_114 = tpu.memref_slice %arg4[%add3A_109, %dma_start3A_113] : memref<2568x128xi32, #tpu.memory_space<hbm>> -> memref<1x128xi32, #tpu.memory_space<hbm>>
        %dma_start3A_115 = tpu.memref_squeeze %dma_start3A_114 : memref<1x128xi32, #tpu.memory_space<hbm>> -> memref<128xi32, #tpu.memory_space<hbm>>
        tpu.enqueue_dma source(%dma_start3A_115 : memref<128xi32, #tpu.memory_space<hbm>>) target(%arg8 : memref<128xi32, #tpu.memory_space<vmem>>) target_semaphore(%arg14 : memref<!tpu.dma_semaphore, #tpu.memory_space<semaphore_mem>>)
      } else {
      }
      %dma_wait3A_86 = arith.constant 0 : i32
      %dma_wait3A_87 = tpu.memref_slice %arg7[%add3A_79, %dma_wait3A_86] : memref<84x128xi32, #tpu.memory_space<vmem>> -> memref<1x128xi32, #tpu.memory_space<vmem>>
      %dma_wait3A_88 = tpu.memref_squeeze %dma_wait3A_87 : memref<1x128xi32, #tpu.memory_space<vmem>> -> memref<128xi32, #tpu.memory_space<vmem>>
      %dma_wait3A_89 = arith.constant 0 : i32
      %dma_wait3A_90 = arith.constant 0 : i32
      %dma_wait3A_91 = tpu.memref_slice %arg2[%dma_wait3A_89, %dma_wait3A_90] : memref<10240x128xf32, #tpu.memory_space<hbm>> -> memref<10240x128xf32, #tpu.memory_space<hbm>>
      tpu.wait_indirect_dma semaphore(%arg13 : memref<!tpu.dma_semaphore, #tpu.memory_space<semaphore_mem>>) src(%dma_wait3A_91 : memref<10240x128xf32, #tpu.memory_space<hbm>>) dst(%arg11 : memref<128x128xf32, #tpu.memory_space<vmem>>)
      %add3A_92 = arith.addi %add3A_79, %select_n3A_8 : i32
      %dma_wait3A_93 = arith.constant 0 : i32
      %dma_wait3A_94 = tpu.memref_slice %arg4[%add3A_92, %dma_wait3A_93] : memref<2568x128xi32, #tpu.memory_space<hbm>> -> memref<1x128xi32, #tpu.memory_space<hbm>>
      %dma_wait3A_95 = tpu.memref_squeeze %dma_wait3A_94 : memref<1x128xi32, #tpu.memory_space<hbm>> -> memref<128xi32, #tpu.memory_space<hbm>>
      %dma_wait3A_96 = arith.constant 0 : i32
      %dma_wait3A_97 = tpu.memref_slice %arg4[%add3A_92, %dma_wait3A_96] : memref<2568x128xi32, #tpu.memory_space<hbm>> -> memref<1x128xi32, #tpu.memory_space<hbm>>
      %dma_wait3A_98 = tpu.memref_squeeze %dma_wait3A_97 : memref<1x128xi32, #tpu.memory_space<hbm>> -> memref<128xi32, #tpu.memory_space<hbm>>
      tpu.wait_dma2 semaphore(%arg15 : memref<!tpu.dma_semaphore, #tpu.memory_space<semaphore_mem>>) src(%dma_wait3A_98 : memref<128xi32, #tpu.memory_space<hbm>>) dst(%arg9 : memref<128xi32, #tpu.memory_space<vmem>>)
      "tpu.region"() ({
        %run_scoped3A = tpu.sem_alloc : memref<!tpu.dma_semaphore, #tpu.memory_space<semaphore_mem>>
        %dma_start3A_99 = arith.constant 0 : i32
        %dma_start3A_100 = arith.constant 0 : i32
        %dma_start3A_101 = tpu.memref_slice %arg16[%dma_start3A_99, %dma_start3A_100] : memref<10240x128xf32, #tpu.memory_space<vmem_shared>> -> memref<10240x128xf32, #tpu.memory_space<vmem_shared>>
        tpu.enqueue_indirect_dma source(%arg11 : memref<128x128xf32, #tpu.memory_space<vmem>>) target(%dma_start3A_101 : memref<10240x128xf32, #tpu.memory_space<vmem_shared>>) offsets(%arg9 : memref<128xi32, #tpu.memory_space<vmem>>) semaphore(%run_scoped3A : memref<!tpu.dma_semaphore, #tpu.memory_space<semaphore_mem>>) {add = true}
        %dma_wait3A_102 = arith.constant 0 : i32
        %dma_wait3A_103 = arith.constant 0 : i32
        %dma_wait3A_104 = tpu.memref_slice %arg16[%dma_wait3A_102, %dma_wait3A_103] : memref<10240x128xf32, #tpu.memory_space<vmem_shared>> -> memref<10240x128xf32, #tpu.memory_space<vmem_shared>>
        tpu.wait_indirect_dma semaphore(%run_scoped3A : memref<!tpu.dma_semaphore, #tpu.memory_space<semaphore_mem>>) src(%arg11 : memref<128x128xf32, #tpu.memory_space<vmem>>) dst(%dma_wait3A_104 : memref<10240x128xf32, #tpu.memory_space<vmem_shared>>)
        tpu.yield
      }) : () -> ()
    }
    %barrier3A_52 = arith.constant 0 : index
    tpu.barrier barrier_id(%barrier3A_52)
    %mul3A_53 = arith.constant 10240 : i32
    %mul3A_54 = arith.muli %arg0, %mul3A_53 : i32
    %add3A_55 = arith.addi %mul3A_54, %mul3A_10 : i32
    "tpu.region"() ({
      %run_scoped3A = tpu.sem_alloc : memref<!tpu.dma_semaphore, #tpu.memory_space<semaphore_mem>>
      %dma_start3A_56 = arith.constant 0 : i32
      %dma_start3A_57 = tpu.memref_slice %arg6[%add3A_55, %dma_start3A_56] : memref<20480x128xf32, #tpu.memory_space<hbm>> -> memref<640x128xf32, #tpu.memory_space<hbm>>
      %dma_start3A_58 = arith.constant 0 : i32
      %dma_start3A_59 = tpu.memref_slice %arg16[%mul3A_10, %dma_start3A_58] : memref<10240x128xf32, #tpu.memory_space<vmem_shared>> -> memref<640x128xf32, #tpu.memory_space<vmem_shared>>
      tpu.enqueue_dma source(%dma_start3A_59 : memref<640x128xf32, #tpu.memory_space<vmem_shared>>) target(%dma_start3A_57 : memref<640x128xf32, #tpu.memory_space<hbm>>) target_semaphore(%run_scoped3A : memref<!tpu.dma_semaphore, #tpu.memory_space<semaphore_mem>>)
      %dma_wait3A = arith.constant 0 : i32
      %dma_wait3A_60 = tpu.memref_slice %arg6[%add3A_55, %dma_wait3A] : memref<20480x128xf32, #tpu.memory_space<hbm>> -> memref<640x128xf32, #tpu.memory_space<hbm>>
      %dma_wait3A_61 = arith.constant 0 : i32
      %dma_wait3A_62 = tpu.memref_slice %arg16[%mul3A_10, %dma_wait3A_61] : memref<10240x128xf32, #tpu.memory_space<vmem_shared>> -> memref<640x128xf32, #tpu.memory_space<vmem_shared>>
      tpu.wait_dma2 semaphore(%run_scoped3A : memref<!tpu.dma_semaphore, #tpu.memory_space<semaphore_mem>>) src(%dma_wait3A_62 : memref<640x128xf32, #tpu.memory_space<vmem_shared>>) dst(%dma_wait3A_60 : memref<640x128xf32, #tpu.memory_space<hbm>>)
      tpu.yield
    }) : () -> ()
    return
  }
}

#map = affine_map<(d0, d1) -> (0, 0)>
module attributes {stable_mosaic.version = 14 : i64} {
  func.func @_deg_body(%arg0: i32, %arg1: i32, %arg2: memref<2568x128xi32, #tpu.memory_space<hbm>>, %arg3: memref<128x16xf32, #tpu.memory_space<hbm>>, %arg4: memref<640x16xf32, #tpu.memory_space<hbm>>, %arg5: memref<20480x16xf32, #tpu.memory_space<hbm>>, %arg6: memref<84x128xi32, #tpu.memory_space<vmem>>, %arg7: memref<128x16xf32, #tpu.memory_space<vmem>>, %arg8: memref<!tpu.dma_semaphore, #tpu.memory_space<semaphore_mem>>, %arg9: memref<10240x16xf32, #tpu.memory_space<vmem_shared>>) attributes {dimension_semantics = [#tpu.dimension_semantics<core_parallel>, #tpu.dimension_semantics<subcore_parallel>], iteration_bounds = array<i64: 2, 16>, scalar_prefetch = 0 : i64, scratch_operands = 4 : i64, tpu.core_type = #tpu.core_type<sc_vector_subcore>, window_params = [{transform_indices = #map}, {transform_indices = #map}, {transform_indices = #map}, {transform_indices = #map}]} {
    %eq3A = arith.constant 0 : i32
    %eq3A_0 = arith.cmpi eq, %arg0, %eq3A : i32
    %jit3A = arith.constant 84 : i32
    %jit3A_1 = arith.constant 76 : i32
    %select_n3A = arith.select %eq3A_0, %jit3A, %jit3A_1 : i32
    %eq3A_2 = arith.constant 0 : i32
    %eq3A_3 = arith.cmpi eq, %arg0, %eq3A_2 : i32
    %mul3A = arith.constant 84 : i32
    %mul3A_4 = arith.muli %arg1, %mul3A : i32
    %mul3A_5 = arith.constant 76 : i32
    %mul3A_6 = arith.muli %arg1, %mul3A_5 : i32
    %add3A = arith.constant 1344 : i32
    %add3A_7 = arith.addi %add3A, %mul3A_6 : i32
    %select_n3A_8 = arith.select %eq3A_3, %mul3A_4, %add3A_7 : i32
    %mul3A_9 = arith.constant 640 : i32
    %mul3A_10 = arith.muli %arg1, %mul3A_9 : i32
    "tpu.region"() ({
      %run_scoped3A = tpu.sem_alloc : memref<!tpu.dma_semaphore, #tpu.memory_space<semaphore_mem>>
      %dma_start3A = arith.constant 0 : i32
      %dma_start3A_42 = tpu.memref_slice %arg9[%mul3A_10, %dma_start3A] : memref<10240x16xf32, #tpu.memory_space<vmem_shared>> -> memref<640x16xf32, #tpu.memory_space<vmem_shared>>
      tpu.enqueue_dma source(%arg4 : memref<640x16xf32, #tpu.memory_space<hbm>>) target(%dma_start3A_42 : memref<640x16xf32, #tpu.memory_space<vmem_shared>>) target_semaphore(%run_scoped3A : memref<!tpu.dma_semaphore, #tpu.memory_space<semaphore_mem>>)
      %dma_wait3A = arith.constant 0 : i32
      %dma_wait3A_43 = tpu.memref_slice %arg9[%mul3A_10, %dma_wait3A] : memref<10240x16xf32, #tpu.memory_space<vmem_shared>> -> memref<640x16xf32, #tpu.memory_space<vmem_shared>>
      tpu.wait_dma2 semaphore(%run_scoped3A : memref<!tpu.dma_semaphore, #tpu.memory_space<semaphore_mem>>) src(%arg4 : memref<640x16xf32, #tpu.memory_space<hbm>>) dst(%dma_wait3A_43 : memref<640x16xf32, #tpu.memory_space<vmem_shared>>)
      tpu.yield
    }) : () -> ()
    "tpu.region"() ({
      %run_scoped3A = tpu.sem_alloc : memref<!tpu.dma_semaphore, #tpu.memory_space<semaphore_mem>>
      tpu.enqueue_dma source(%arg3 : memref<128x16xf32, #tpu.memory_space<hbm>>) target(%arg7 : memref<128x16xf32, #tpu.memory_space<vmem>>) target_semaphore(%run_scoped3A : memref<!tpu.dma_semaphore, #tpu.memory_space<semaphore_mem>>)
      tpu.wait_dma2 semaphore(%run_scoped3A : memref<!tpu.dma_semaphore, #tpu.memory_space<semaphore_mem>>) src(%arg3 : memref<128x16xf32, #tpu.memory_space<hbm>>) dst(%arg7 : memref<128x16xf32, #tpu.memory_space<vmem>>)
      tpu.yield
    }) : () -> ()
    "tpu.region"() ({
      %run_scoped3A = tpu.sem_alloc : memref<!tpu.dma_semaphore, #tpu.memory_space<semaphore_mem>>
      %dma_start3A = arith.constant 0 : i32
      %dma_start3A_42 = tpu.memref_slice %arg2[%select_n3A_8, %dma_start3A] : memref<2568x128xi32, #tpu.memory_space<hbm>> -> memref<84x128xi32, #tpu.memory_space<hbm>>
      %dma_start3A_43 = arith.constant 0 : i32
      %dma_start3A_44 = tpu.memref_slice %arg2[%select_n3A_8, %dma_start3A_43] : memref<2568x128xi32, #tpu.memory_space<hbm>> -> memref<84x128xi32, #tpu.memory_space<hbm>>
      tpu.enqueue_dma source(%dma_start3A_44 : memref<84x128xi32, #tpu.memory_space<hbm>>) target(%arg6 : memref<84x128xi32, #tpu.memory_space<vmem>>) target_semaphore(%run_scoped3A : memref<!tpu.dma_semaphore, #tpu.memory_space<semaphore_mem>>)
      %dma_wait3A = arith.constant 0 : i32
      %dma_wait3A_45 = tpu.memref_slice %arg2[%select_n3A_8, %dma_wait3A] : memref<2568x128xi32, #tpu.memory_space<hbm>> -> memref<84x128xi32, #tpu.memory_space<hbm>>
      %dma_wait3A_46 = arith.constant 0 : i32
      %dma_wait3A_47 = tpu.memref_slice %arg2[%select_n3A_8, %dma_wait3A_46] : memref<2568x128xi32, #tpu.memory_space<hbm>> -> memref<84x128xi32, #tpu.memory_space<hbm>>
      tpu.wait_dma2 semaphore(%run_scoped3A : memref<!tpu.dma_semaphore, #tpu.memory_space<semaphore_mem>>) src(%dma_wait3A_47 : memref<84x128xi32, #tpu.memory_space<hbm>>) dst(%arg6 : memref<84x128xi32, #tpu.memory_space<vmem>>)
      tpu.yield
    }) : () -> ()
    %barrier3A = arith.constant 0 : index
    tpu.barrier barrier_id(%barrier3A)
    %jit3A_11 = arith.constant 4 : i32
    %div3A = arith.divsi %select_n3A, %jit3A_11 : i32
    %sign3A = arith.constant 0 : i32
    %sign3A_12 = arith.cmpi sgt, %select_n3A, %sign3A : i32
    %sign3A_13 = arith.extui %sign3A_12 : i1 to i32
    %sign3A_14 = arith.constant 0 : i32
    %sign3A_15 = arith.cmpi slt, %select_n3A, %sign3A_14 : i32
    %sign3A_16 = arith.extui %sign3A_15 : i1 to i32
    %sign3A_17 = arith.subi %sign3A_13, %sign3A_16 : i32
    %sign3A_18 = arith.constant 0 : i32
    %sign3A_19 = arith.cmpi sgt, %jit3A_11, %sign3A_18 : i32
    %sign3A_20 = arith.extui %sign3A_19 : i1 to i32
    %sign3A_21 = arith.constant 0 : i32
    %sign3A_22 = arith.cmpi slt, %jit3A_11, %sign3A_21 : i32
    %sign3A_23 = arith.extui %sign3A_22 : i1 to i32
    %sign3A_24 = arith.subi %sign3A_20, %sign3A_23 : i32
    %ne3A = arith.cmpi ne, %sign3A_17, %sign3A_24 : i32
    %rem3A = arith.remsi %select_n3A, %jit3A_11 : i32
    %ne3A_25 = arith.constant 0 : i32
    %ne3A_26 = arith.cmpi ne, %rem3A, %ne3A_25 : i32
    %and3A = arith.andi %ne3A, %ne3A_26 : i1
    %sub3A = arith.constant 1 : i32
    %sub3A_27 = arith.subi %div3A, %sub3A : i32
    %select_n3A_28 = arith.select %and3A, %sub3A_27, %div3A : i32
    %while3A = arith.constant 0 : i32
    %while3A_29 = arith.constant 0 : i32
    %while3A_30 = arith.subi %select_n3A_28, %while3A_29 : i32
    %while3A_31 = arith.addi %while3A_29, %while3A_30 : i32
    %while3A_32 = arith.constant 1 : i32
    %while3A_33 = arith.divsi %while3A_30, %while3A_32 : i32
    %while3A_34 = arith.muli %while3A_33, %while3A_32 : i32
    %while3A_35 = arith.addi %while3A_29, %while3A_34 : i32
    %while3A_36 = arith.constant 1 : i32
    scf.for %while3A_42 = %while3A_29 to %while3A_35 step %while3A_36  : i32 {
      %mul3A_43 = arith.constant 4 : i32
      %mul3A_44 = arith.muli %while3A_42, %mul3A_43 : i32
      %add3A_45 = arith.constant 0 : i32
      %add3A_46 = arith.addi %mul3A_44, %add3A_45 : i32
      %dma_start3A = arith.constant 0 : i32
      %dma_start3A_47 = tpu.memref_slice %arg6[%add3A_46, %dma_start3A] : memref<84x128xi32, #tpu.memory_space<vmem>> -> memref<1x128xi32, #tpu.memory_space<vmem>>
      %dma_start3A_48 = tpu.memref_squeeze %dma_start3A_47 : memref<1x128xi32, #tpu.memory_space<vmem>> -> memref<128xi32, #tpu.memory_space<vmem>>
      %dma_start3A_49 = arith.constant 0 : i32
      %dma_start3A_50 = arith.constant 0 : i32
      %dma_start3A_51 = tpu.memref_slice %arg9[%dma_start3A_49, %dma_start3A_50] : memref<10240x16xf32, #tpu.memory_space<vmem_shared>> -> memref<10240x16xf32, #tpu.memory_space<vmem_shared>>
      tpu.enqueue_indirect_dma source(%arg7 : memref<128x16xf32, #tpu.memory_space<vmem>>) target(%dma_start3A_51 : memref<10240x16xf32, #tpu.memory_space<vmem_shared>>) offsets(%dma_start3A_48 : memref<128xi32, #tpu.memory_space<vmem>>) semaphore(%arg8 : memref<!tpu.dma_semaphore, #tpu.memory_space<semaphore_mem>>) {add = true}
      %add3A_52 = arith.constant 1 : i32
      %add3A_53 = arith.addi %mul3A_44, %add3A_52 : i32
      %dma_start3A_54 = arith.constant 0 : i32
      %dma_start3A_55 = tpu.memref_slice %arg6[%add3A_53, %dma_start3A_54] : memref<84x128xi32, #tpu.memory_space<vmem>> -> memref<1x128xi32, #tpu.memory_space<vmem>>
      %dma_start3A_56 = tpu.memref_squeeze %dma_start3A_55 : memref<1x128xi32, #tpu.memory_space<vmem>> -> memref<128xi32, #tpu.memory_space<vmem>>
      %dma_start3A_57 = arith.constant 0 : i32
      %dma_start3A_58 = arith.constant 0 : i32
      %dma_start3A_59 = tpu.memref_slice %arg9[%dma_start3A_57, %dma_start3A_58] : memref<10240x16xf32, #tpu.memory_space<vmem_shared>> -> memref<10240x16xf32, #tpu.memory_space<vmem_shared>>
      tpu.enqueue_indirect_dma source(%arg7 : memref<128x16xf32, #tpu.memory_space<vmem>>) target(%dma_start3A_59 : memref<10240x16xf32, #tpu.memory_space<vmem_shared>>) offsets(%dma_start3A_56 : memref<128xi32, #tpu.memory_space<vmem>>) semaphore(%arg8 : memref<!tpu.dma_semaphore, #tpu.memory_space<semaphore_mem>>) {add = true}
      %add3A_60 = arith.constant 2 : i32
      %add3A_61 = arith.addi %mul3A_44, %add3A_60 : i32
      %dma_start3A_62 = arith.constant 0 : i32
      %dma_start3A_63 = tpu.memref_slice %arg6[%add3A_61, %dma_start3A_62] : memref<84x128xi32, #tpu.memory_space<vmem>> -> memref<1x128xi32, #tpu.memory_space<vmem>>
      %dma_start3A_64 = tpu.memref_squeeze %dma_start3A_63 : memref<1x128xi32, #tpu.memory_space<vmem>> -> memref<128xi32, #tpu.memory_space<vmem>>
      %dma_start3A_65 = arith.constant 0 : i32
      %dma_start3A_66 = arith.constant 0 : i32
      %dma_start3A_67 = tpu.memref_slice %arg9[%dma_start3A_65, %dma_start3A_66] : memref<10240x16xf32, #tpu.memory_space<vmem_shared>> -> memref<10240x16xf32, #tpu.memory_space<vmem_shared>>
      tpu.enqueue_indirect_dma source(%arg7 : memref<128x16xf32, #tpu.memory_space<vmem>>) target(%dma_start3A_67 : memref<10240x16xf32, #tpu.memory_space<vmem_shared>>) offsets(%dma_start3A_64 : memref<128xi32, #tpu.memory_space<vmem>>) semaphore(%arg8 : memref<!tpu.dma_semaphore, #tpu.memory_space<semaphore_mem>>) {add = true}
      %add3A_68 = arith.constant 3 : i32
      %add3A_69 = arith.addi %mul3A_44, %add3A_68 : i32
      %dma_start3A_70 = arith.constant 0 : i32
      %dma_start3A_71 = tpu.memref_slice %arg6[%add3A_69, %dma_start3A_70] : memref<84x128xi32, #tpu.memory_space<vmem>> -> memref<1x128xi32, #tpu.memory_space<vmem>>
      %dma_start3A_72 = tpu.memref_squeeze %dma_start3A_71 : memref<1x128xi32, #tpu.memory_space<vmem>> -> memref<128xi32, #tpu.memory_space<vmem>>
      %dma_start3A_73 = arith.constant 0 : i32
      %dma_start3A_74 = arith.constant 0 : i32
      %dma_start3A_75 = tpu.memref_slice %arg9[%dma_start3A_73, %dma_start3A_74] : memref<10240x16xf32, #tpu.memory_space<vmem_shared>> -> memref<10240x16xf32, #tpu.memory_space<vmem_shared>>
      tpu.enqueue_indirect_dma source(%arg7 : memref<128x16xf32, #tpu.memory_space<vmem>>) target(%dma_start3A_75 : memref<10240x16xf32, #tpu.memory_space<vmem_shared>>) offsets(%dma_start3A_72 : memref<128xi32, #tpu.memory_space<vmem>>) semaphore(%arg8 : memref<!tpu.dma_semaphore, #tpu.memory_space<semaphore_mem>>) {add = true}
      %add3A_76 = arith.constant 0 : i32
      %add3A_77 = arith.addi %mul3A_44, %add3A_76 : i32
      %dma_wait3A = arith.constant 0 : i32
      %dma_wait3A_78 = tpu.memref_slice %arg6[%add3A_77, %dma_wait3A] : memref<84x128xi32, #tpu.memory_space<vmem>> -> memref<1x128xi32, #tpu.memory_space<vmem>>
      %dma_wait3A_79 = tpu.memref_squeeze %dma_wait3A_78 : memref<1x128xi32, #tpu.memory_space<vmem>> -> memref<128xi32, #tpu.memory_space<vmem>>
      %dma_wait3A_80 = arith.constant 0 : i32
      %dma_wait3A_81 = arith.constant 0 : i32
      %dma_wait3A_82 = tpu.memref_slice %arg9[%dma_wait3A_80, %dma_wait3A_81] : memref<10240x16xf32, #tpu.memory_space<vmem_shared>> -> memref<10240x16xf32, #tpu.memory_space<vmem_shared>>
      tpu.wait_indirect_dma semaphore(%arg8 : memref<!tpu.dma_semaphore, #tpu.memory_space<semaphore_mem>>) src(%arg7 : memref<128x16xf32, #tpu.memory_space<vmem>>) dst(%dma_wait3A_82 : memref<10240x16xf32, #tpu.memory_space<vmem_shared>>)
      %add3A_83 = arith.constant 1 : i32
      %add3A_84 = arith.addi %mul3A_44, %add3A_83 : i32
      %dma_wait3A_85 = arith.constant 0 : i32
      %dma_wait3A_86 = tpu.memref_slice %arg6[%add3A_84, %dma_wait3A_85] : memref<84x128xi32, #tpu.memory_space<vmem>> -> memref<1x128xi32, #tpu.memory_space<vmem>>
      %dma_wait3A_87 = tpu.memref_squeeze %dma_wait3A_86 : memref<1x128xi32, #tpu.memory_space<vmem>> -> memref<128xi32, #tpu.memory_space<vmem>>
      %dma_wait3A_88 = arith.constant 0 : i32
      %dma_wait3A_89 = arith.constant 0 : i32
      %dma_wait3A_90 = tpu.memref_slice %arg9[%dma_wait3A_88, %dma_wait3A_89] : memref<10240x16xf32, #tpu.memory_space<vmem_shared>> -> memref<10240x16xf32, #tpu.memory_space<vmem_shared>>
      tpu.wait_indirect_dma semaphore(%arg8 : memref<!tpu.dma_semaphore, #tpu.memory_space<semaphore_mem>>) src(%arg7 : memref<128x16xf32, #tpu.memory_space<vmem>>) dst(%dma_wait3A_90 : memref<10240x16xf32, #tpu.memory_space<vmem_shared>>)
      %add3A_91 = arith.constant 2 : i32
      %add3A_92 = arith.addi %mul3A_44, %add3A_91 : i32
      %dma_wait3A_93 = arith.constant 0 : i32
      %dma_wait3A_94 = tpu.memref_slice %arg6[%add3A_92, %dma_wait3A_93] : memref<84x128xi32, #tpu.memory_space<vmem>> -> memref<1x128xi32, #tpu.memory_space<vmem>>
      %dma_wait3A_95 = tpu.memref_squeeze %dma_wait3A_94 : memref<1x128xi32, #tpu.memory_space<vmem>> -> memref<128xi32, #tpu.memory_space<vmem>>
      %dma_wait3A_96 = arith.constant 0 : i32
      %dma_wait3A_97 = arith.constant 0 : i32
      %dma_wait3A_98 = tpu.memref_slice %arg9[%dma_wait3A_96, %dma_wait3A_97] : memref<10240x16xf32, #tpu.memory_space<vmem_shared>> -> memref<10240x16xf32, #tpu.memory_space<vmem_shared>>
      tpu.wait_indirect_dma semaphore(%arg8 : memref<!tpu.dma_semaphore, #tpu.memory_space<semaphore_mem>>) src(%arg7 : memref<128x16xf32, #tpu.memory_space<vmem>>) dst(%dma_wait3A_98 : memref<10240x16xf32, #tpu.memory_space<vmem_shared>>)
      %add3A_99 = arith.constant 3 : i32
      %add3A_100 = arith.addi %mul3A_44, %add3A_99 : i32
      %dma_wait3A_101 = arith.constant 0 : i32
      %dma_wait3A_102 = tpu.memref_slice %arg6[%add3A_100, %dma_wait3A_101] : memref<84x128xi32, #tpu.memory_space<vmem>> -> memref<1x128xi32, #tpu.memory_space<vmem>>
      %dma_wait3A_103 = tpu.memref_squeeze %dma_wait3A_102 : memref<1x128xi32, #tpu.memory_space<vmem>> -> memref<128xi32, #tpu.memory_space<vmem>>
      %dma_wait3A_104 = arith.constant 0 : i32
      %dma_wait3A_105 = arith.constant 0 : i32
      %dma_wait3A_106 = tpu.memref_slice %arg9[%dma_wait3A_104, %dma_wait3A_105] : memref<10240x16xf32, #tpu.memory_space<vmem_shared>> -> memref<10240x16xf32, #tpu.memory_space<vmem_shared>>
      tpu.wait_indirect_dma semaphore(%arg8 : memref<!tpu.dma_semaphore, #tpu.memory_space<semaphore_mem>>) src(%arg7 : memref<128x16xf32, #tpu.memory_space<vmem>>) dst(%dma_wait3A_106 : memref<10240x16xf32, #tpu.memory_space<vmem_shared>>)
    }
    %while3A_37 = arith.constant 1 : i32
    scf.for %while3A_42 = %while3A_35 to %while3A_31 step %while3A_37  : i32 {
      %mul3A_43 = arith.constant 4 : i32
      %mul3A_44 = arith.muli %while3A_42, %mul3A_43 : i32
      %add3A_45 = arith.constant 0 : i32
      %add3A_46 = arith.addi %mul3A_44, %add3A_45 : i32
      %dma_start3A = arith.constant 0 : i32
      %dma_start3A_47 = tpu.memref_slice %arg6[%add3A_46, %dma_start3A] : memref<84x128xi32, #tpu.memory_space<vmem>> -> memref<1x128xi32, #tpu.memory_space<vmem>>
      %dma_start3A_48 = tpu.memref_squeeze %dma_start3A_47 : memref<1x128xi32, #tpu.memory_space<vmem>> -> memref<128xi32, #tpu.memory_space<vmem>>
      %dma_start3A_49 = arith.constant 0 : i32
      %dma_start3A_50 = arith.constant 0 : i32
      %dma_start3A_51 = tpu.memref_slice %arg9[%dma_start3A_49, %dma_start3A_50] : memref<10240x16xf32, #tpu.memory_space<vmem_shared>> -> memref<10240x16xf32, #tpu.memory_space<vmem_shared>>
      tpu.enqueue_indirect_dma source(%arg7 : memref<128x16xf32, #tpu.memory_space<vmem>>) target(%dma_start3A_51 : memref<10240x16xf32, #tpu.memory_space<vmem_shared>>) offsets(%dma_start3A_48 : memref<128xi32, #tpu.memory_space<vmem>>) semaphore(%arg8 : memref<!tpu.dma_semaphore, #tpu.memory_space<semaphore_mem>>) {add = true}
      %add3A_52 = arith.constant 1 : i32
      %add3A_53 = arith.addi %mul3A_44, %add3A_52 : i32
      %dma_start3A_54 = arith.constant 0 : i32
      %dma_start3A_55 = tpu.memref_slice %arg6[%add3A_53, %dma_start3A_54] : memref<84x128xi32, #tpu.memory_space<vmem>> -> memref<1x128xi32, #tpu.memory_space<vmem>>
      %dma_start3A_56 = tpu.memref_squeeze %dma_start3A_55 : memref<1x128xi32, #tpu.memory_space<vmem>> -> memref<128xi32, #tpu.memory_space<vmem>>
      %dma_start3A_57 = arith.constant 0 : i32
      %dma_start3A_58 = arith.constant 0 : i32
      %dma_start3A_59 = tpu.memref_slice %arg9[%dma_start3A_57, %dma_start3A_58] : memref<10240x16xf32, #tpu.memory_space<vmem_shared>> -> memref<10240x16xf32, #tpu.memory_space<vmem_shared>>
      tpu.enqueue_indirect_dma source(%arg7 : memref<128x16xf32, #tpu.memory_space<vmem>>) target(%dma_start3A_59 : memref<10240x16xf32, #tpu.memory_space<vmem_shared>>) offsets(%dma_start3A_56 : memref<128xi32, #tpu.memory_space<vmem>>) semaphore(%arg8 : memref<!tpu.dma_semaphore, #tpu.memory_space<semaphore_mem>>) {add = true}
      %add3A_60 = arith.constant 2 : i32
      %add3A_61 = arith.addi %mul3A_44, %add3A_60 : i32
      %dma_start3A_62 = arith.constant 0 : i32
      %dma_start3A_63 = tpu.memref_slice %arg6[%add3A_61, %dma_start3A_62] : memref<84x128xi32, #tpu.memory_space<vmem>> -> memref<1x128xi32, #tpu.memory_space<vmem>>
      %dma_start3A_64 = tpu.memref_squeeze %dma_start3A_63 : memref<1x128xi32, #tpu.memory_space<vmem>> -> memref<128xi32, #tpu.memory_space<vmem>>
      %dma_start3A_65 = arith.constant 0 : i32
      %dma_start3A_66 = arith.constant 0 : i32
      %dma_start3A_67 = tpu.memref_slice %arg9[%dma_start3A_65, %dma_start3A_66] : memref<10240x16xf32, #tpu.memory_space<vmem_shared>> -> memref<10240x16xf32, #tpu.memory_space<vmem_shared>>
      tpu.enqueue_indirect_dma source(%arg7 : memref<128x16xf32, #tpu.memory_space<vmem>>) target(%dma_start3A_67 : memref<10240x16xf32, #tpu.memory_space<vmem_shared>>) offsets(%dma_start3A_64 : memref<128xi32, #tpu.memory_space<vmem>>) semaphore(%arg8 : memref<!tpu.dma_semaphore, #tpu.memory_space<semaphore_mem>>) {add = true}
      %add3A_68 = arith.constant 3 : i32
      %add3A_69 = arith.addi %mul3A_44, %add3A_68 : i32
      %dma_start3A_70 = arith.constant 0 : i32
      %dma_start3A_71 = tpu.memref_slice %arg6[%add3A_69, %dma_start3A_70] : memref<84x128xi32, #tpu.memory_space<vmem>> -> memref<1x128xi32, #tpu.memory_space<vmem>>
      %dma_start3A_72 = tpu.memref_squeeze %dma_start3A_71 : memref<1x128xi32, #tpu.memory_space<vmem>> -> memref<128xi32, #tpu.memory_space<vmem>>
      %dma_start3A_73 = arith.constant 0 : i32
      %dma_start3A_74 = arith.constant 0 : i32
      %dma_start3A_75 = tpu.memref_slice %arg9[%dma_start3A_73, %dma_start3A_74] : memref<10240x16xf32, #tpu.memory_space<vmem_shared>> -> memref<10240x16xf32, #tpu.memory_space<vmem_shared>>
      tpu.enqueue_indirect_dma source(%arg7 : memref<128x16xf32, #tpu.memory_space<vmem>>) target(%dma_start3A_75 : memref<10240x16xf32, #tpu.memory_space<vmem_shared>>) offsets(%dma_start3A_72 : memref<128xi32, #tpu.memory_space<vmem>>) semaphore(%arg8 : memref<!tpu.dma_semaphore, #tpu.memory_space<semaphore_mem>>) {add = true}
      %add3A_76 = arith.constant 0 : i32
      %add3A_77 = arith.addi %mul3A_44, %add3A_76 : i32
      %dma_wait3A = arith.constant 0 : i32
      %dma_wait3A_78 = tpu.memref_slice %arg6[%add3A_77, %dma_wait3A] : memref<84x128xi32, #tpu.memory_space<vmem>> -> memref<1x128xi32, #tpu.memory_space<vmem>>
      %dma_wait3A_79 = tpu.memref_squeeze %dma_wait3A_78 : memref<1x128xi32, #tpu.memory_space<vmem>> -> memref<128xi32, #tpu.memory_space<vmem>>
      %dma_wait3A_80 = arith.constant 0 : i32
      %dma_wait3A_81 = arith.constant 0 : i32
      %dma_wait3A_82 = tpu.memref_slice %arg9[%dma_wait3A_80, %dma_wait3A_81] : memref<10240x16xf32, #tpu.memory_space<vmem_shared>> -> memref<10240x16xf32, #tpu.memory_space<vmem_shared>>
      tpu.wait_indirect_dma semaphore(%arg8 : memref<!tpu.dma_semaphore, #tpu.memory_space<semaphore_mem>>) src(%arg7 : memref<128x16xf32, #tpu.memory_space<vmem>>) dst(%dma_wait3A_82 : memref<10240x16xf32, #tpu.memory_space<vmem_shared>>)
      %add3A_83 = arith.constant 1 : i32
      %add3A_84 = arith.addi %mul3A_44, %add3A_83 : i32
      %dma_wait3A_85 = arith.constant 0 : i32
      %dma_wait3A_86 = tpu.memref_slice %arg6[%add3A_84, %dma_wait3A_85] : memref<84x128xi32, #tpu.memory_space<vmem>> -> memref<1x128xi32, #tpu.memory_space<vmem>>
      %dma_wait3A_87 = tpu.memref_squeeze %dma_wait3A_86 : memref<1x128xi32, #tpu.memory_space<vmem>> -> memref<128xi32, #tpu.memory_space<vmem>>
      %dma_wait3A_88 = arith.constant 0 : i32
      %dma_wait3A_89 = arith.constant 0 : i32
      %dma_wait3A_90 = tpu.memref_slice %arg9[%dma_wait3A_88, %dma_wait3A_89] : memref<10240x16xf32, #tpu.memory_space<vmem_shared>> -> memref<10240x16xf32, #tpu.memory_space<vmem_shared>>
      tpu.wait_indirect_dma semaphore(%arg8 : memref<!tpu.dma_semaphore, #tpu.memory_space<semaphore_mem>>) src(%arg7 : memref<128x16xf32, #tpu.memory_space<vmem>>) dst(%dma_wait3A_90 : memref<10240x16xf32, #tpu.memory_space<vmem_shared>>)
      %add3A_91 = arith.constant 2 : i32
      %add3A_92 = arith.addi %mul3A_44, %add3A_91 : i32
      %dma_wait3A_93 = arith.constant 0 : i32
      %dma_wait3A_94 = tpu.memref_slice %arg6[%add3A_92, %dma_wait3A_93] : memref<84x128xi32, #tpu.memory_space<vmem>> -> memref<1x128xi32, #tpu.memory_space<vmem>>
      %dma_wait3A_95 = tpu.memref_squeeze %dma_wait3A_94 : memref<1x128xi32, #tpu.memory_space<vmem>> -> memref<128xi32, #tpu.memory_space<vmem>>
      %dma_wait3A_96 = arith.constant 0 : i32
      %dma_wait3A_97 = arith.constant 0 : i32
      %dma_wait3A_98 = tpu.memref_slice %arg9[%dma_wait3A_96, %dma_wait3A_97] : memref<10240x16xf32, #tpu.memory_space<vmem_shared>> -> memref<10240x16xf32, #tpu.memory_space<vmem_shared>>
      tpu.wait_indirect_dma semaphore(%arg8 : memref<!tpu.dma_semaphore, #tpu.memory_space<semaphore_mem>>) src(%arg7 : memref<128x16xf32, #tpu.memory_space<vmem>>) dst(%dma_wait3A_98 : memref<10240x16xf32, #tpu.memory_space<vmem_shared>>)
      %add3A_99 = arith.constant 3 : i32
      %add3A_100 = arith.addi %mul3A_44, %add3A_99 : i32
      %dma_wait3A_101 = arith.constant 0 : i32
      %dma_wait3A_102 = tpu.memref_slice %arg6[%add3A_100, %dma_wait3A_101] : memref<84x128xi32, #tpu.memory_space<vmem>> -> memref<1x128xi32, #tpu.memory_space<vmem>>
      %dma_wait3A_103 = tpu.memref_squeeze %dma_wait3A_102 : memref<1x128xi32, #tpu.memory_space<vmem>> -> memref<128xi32, #tpu.memory_space<vmem>>
      %dma_wait3A_104 = arith.constant 0 : i32
      %dma_wait3A_105 = arith.constant 0 : i32
      %dma_wait3A_106 = tpu.memref_slice %arg9[%dma_wait3A_104, %dma_wait3A_105] : memref<10240x16xf32, #tpu.memory_space<vmem_shared>> -> memref<10240x16xf32, #tpu.memory_space<vmem_shared>>
      tpu.wait_indirect_dma semaphore(%arg8 : memref<!tpu.dma_semaphore, #tpu.memory_space<semaphore_mem>>) src(%arg7 : memref<128x16xf32, #tpu.memory_space<vmem>>) dst(%dma_wait3A_106 : memref<10240x16xf32, #tpu.memory_space<vmem_shared>>)
    }
    %barrier3A_38 = arith.constant 0 : index
    tpu.barrier barrier_id(%barrier3A_38)
    %mul3A_39 = arith.constant 10240 : i32
    %mul3A_40 = arith.muli %arg0, %mul3A_39 : i32
    %add3A_41 = arith.addi %mul3A_40, %mul3A_10 : i32
    "tpu.region"() ({
      %run_scoped3A = tpu.sem_alloc : memref<!tpu.dma_semaphore, #tpu.memory_space<semaphore_mem>>
      %dma_start3A = arith.constant 0 : i32
      %dma_start3A_42 = tpu.memref_slice %arg5[%add3A_41, %dma_start3A] : memref<20480x16xf32, #tpu.memory_space<hbm>> -> memref<640x16xf32, #tpu.memory_space<hbm>>
      %dma_start3A_43 = arith.constant 0 : i32
      %dma_start3A_44 = tpu.memref_slice %arg9[%mul3A_10, %dma_start3A_43] : memref<10240x16xf32, #tpu.memory_space<vmem_shared>> -> memref<640x16xf32, #tpu.memory_space<vmem_shared>>
      tpu.enqueue_dma source(%dma_start3A_44 : memref<640x16xf32, #tpu.memory_space<vmem_shared>>) target(%dma_start3A_42 : memref<640x16xf32, #tpu.memory_space<hbm>>) target_semaphore(%run_scoped3A : memref<!tpu.dma_semaphore, #tpu.memory_space<semaphore_mem>>)
      %dma_wait3A = arith.constant 0 : i32
      %dma_wait3A_45 = tpu.memref_slice %arg5[%add3A_41, %dma_wait3A] : memref<20480x16xf32, #tpu.memory_space<hbm>> -> memref<640x16xf32, #tpu.memory_space<hbm>>
      %dma_wait3A_46 = arith.constant 0 : i32
      %dma_wait3A_47 = tpu.memref_slice %arg9[%mul3A_10, %dma_wait3A_46] : memref<10240x16xf32, #tpu.memory_space<vmem_shared>> -> memref<640x16xf32, #tpu.memory_space<vmem_shared>>
      tpu.wait_dma2 semaphore(%run_scoped3A : memref<!tpu.dma_semaphore, #tpu.memory_space<semaphore_mem>>) src(%dma_wait3A_47 : memref<640x16xf32, #tpu.memory_space<vmem_shared>>) dst(%dma_wait3A_45 : memref<640x16xf32, #tpu.memory_space<hbm>>)
      tpu.yield
    }) : () -> ()
    return
  }
}

#map = affine_map<(d0, d1) -> (0, 0)>
module attributes {stable_mosaic.version = 14 : i64} {
  func.func @_agg_body(%arg0: i32, %arg1: i32, %arg2: memref<10240x64xf32, #tpu.memory_space<hbm>>, %arg3: memref<2568x128xi32, #tpu.memory_space<hbm>>, %arg4: memref<2568x128xi32, #tpu.memory_space<hbm>>, %arg5: memref<640x64xf32, #tpu.memory_space<hbm>>, %arg6: memref<20480x64xf32, #tpu.memory_space<hbm>>, %arg7: memref<84x128xi32, #tpu.memory_space<vmem>>, %arg8: memref<128xi32, #tpu.memory_space<vmem>>, %arg9: memref<128xi32, #tpu.memory_space<vmem>>, %arg10: memref<128x64xf32, #tpu.memory_space<vmem>>, %arg11: memref<128x64xf32, #tpu.memory_space<vmem>>, %arg12: memref<!tpu.dma_semaphore, #tpu.memory_space<semaphore_mem>>, %arg13: memref<!tpu.dma_semaphore, #tpu.memory_space<semaphore_mem>>, %arg14: memref<!tpu.dma_semaphore, #tpu.memory_space<semaphore_mem>>, %arg15: memref<!tpu.dma_semaphore, #tpu.memory_space<semaphore_mem>>, %arg16: memref<10240x64xf32, #tpu.memory_space<vmem_shared>>) attributes {dimension_semantics = [#tpu.dimension_semantics<core_parallel>, #tpu.dimension_semantics<subcore_parallel>], iteration_bounds = array<i64: 2, 16>, scalar_prefetch = 0 : i64, scratch_operands = 10 : i64, tpu.core_type = #tpu.core_type<sc_vector_subcore>, window_params = [{transform_indices = #map}, {transform_indices = #map}, {transform_indices = #map}, {transform_indices = #map}, {transform_indices = #map}]} {
    %eq3A = arith.constant 0 : i32
    %eq3A_0 = arith.cmpi eq, %arg0, %eq3A : i32
    %jit3A = arith.constant 84 : i32
    %jit3A_1 = arith.constant 76 : i32
    %select_n3A = arith.select %eq3A_0, %jit3A, %jit3A_1 : i32
    %eq3A_2 = arith.constant 0 : i32
    %eq3A_3 = arith.cmpi eq, %arg0, %eq3A_2 : i32
    %mul3A = arith.constant 84 : i32
    %mul3A_4 = arith.muli %arg1, %mul3A : i32
    %mul3A_5 = arith.constant 76 : i32
    %mul3A_6 = arith.muli %arg1, %mul3A_5 : i32
    %add3A = arith.constant 1344 : i32
    %add3A_7 = arith.addi %add3A, %mul3A_6 : i32
    %select_n3A_8 = arith.select %eq3A_3, %mul3A_4, %add3A_7 : i32
    %mul3A_9 = arith.constant 640 : i32
    %mul3A_10 = arith.muli %arg1, %mul3A_9 : i32
    "tpu.region"() ({
      %run_scoped3A = tpu.sem_alloc : memref<!tpu.dma_semaphore, #tpu.memory_space<semaphore_mem>>
      %dma_start3A_56 = arith.constant 0 : i32
      %dma_start3A_57 = tpu.memref_slice %arg16[%mul3A_10, %dma_start3A_56] : memref<10240x64xf32, #tpu.memory_space<vmem_shared>> -> memref<640x64xf32, #tpu.memory_space<vmem_shared>>
      tpu.enqueue_dma source(%arg5 : memref<640x64xf32, #tpu.memory_space<hbm>>) target(%dma_start3A_57 : memref<640x64xf32, #tpu.memory_space<vmem_shared>>) target_semaphore(%run_scoped3A : memref<!tpu.dma_semaphore, #tpu.memory_space<semaphore_mem>>)
      %dma_wait3A = arith.constant 0 : i32
      %dma_wait3A_58 = tpu.memref_slice %arg16[%mul3A_10, %dma_wait3A] : memref<10240x64xf32, #tpu.memory_space<vmem_shared>> -> memref<640x64xf32, #tpu.memory_space<vmem_shared>>
      tpu.wait_dma2 semaphore(%run_scoped3A : memref<!tpu.dma_semaphore, #tpu.memory_space<semaphore_mem>>) src(%arg5 : memref<640x64xf32, #tpu.memory_space<hbm>>) dst(%dma_wait3A_58 : memref<640x64xf32, #tpu.memory_space<vmem_shared>>)
      tpu.yield
    }) : () -> ()
    "tpu.region"() ({
      %run_scoped3A = tpu.sem_alloc : memref<!tpu.dma_semaphore, #tpu.memory_space<semaphore_mem>>
      %dma_start3A_56 = arith.constant 0 : i32
      %dma_start3A_57 = tpu.memref_slice %arg3[%select_n3A_8, %dma_start3A_56] : memref<2568x128xi32, #tpu.memory_space<hbm>> -> memref<84x128xi32, #tpu.memory_space<hbm>>
      %dma_start3A_58 = arith.constant 0 : i32
      %dma_start3A_59 = tpu.memref_slice %arg3[%select_n3A_8, %dma_start3A_58] : memref<2568x128xi32, #tpu.memory_space<hbm>> -> memref<84x128xi32, #tpu.memory_space<hbm>>
      tpu.enqueue_dma source(%dma_start3A_59 : memref<84x128xi32, #tpu.memory_space<hbm>>) target(%arg7 : memref<84x128xi32, #tpu.memory_space<vmem>>) target_semaphore(%run_scoped3A : memref<!tpu.dma_semaphore, #tpu.memory_space<semaphore_mem>>)
      %dma_wait3A = arith.constant 0 : i32
      %dma_wait3A_60 = tpu.memref_slice %arg3[%select_n3A_8, %dma_wait3A] : memref<2568x128xi32, #tpu.memory_space<hbm>> -> memref<84x128xi32, #tpu.memory_space<hbm>>
      %dma_wait3A_61 = arith.constant 0 : i32
      %dma_wait3A_62 = tpu.memref_slice %arg3[%select_n3A_8, %dma_wait3A_61] : memref<2568x128xi32, #tpu.memory_space<hbm>> -> memref<84x128xi32, #tpu.memory_space<hbm>>
      tpu.wait_dma2 semaphore(%run_scoped3A : memref<!tpu.dma_semaphore, #tpu.memory_space<semaphore_mem>>) src(%dma_wait3A_62 : memref<84x128xi32, #tpu.memory_space<hbm>>) dst(%arg7 : memref<84x128xi32, #tpu.memory_space<vmem>>)
      tpu.yield
    }) : () -> ()
    %barrier3A = arith.constant 0 : index
    tpu.barrier barrier_id(%barrier3A)
    %dma_start3A = arith.constant 0 : i32
    %dma_start3A_11 = arith.constant 0 : i32
    %dma_start3A_12 = tpu.memref_slice %arg7[%dma_start3A, %dma_start3A_11] : memref<84x128xi32, #tpu.memory_space<vmem>> -> memref<1x128xi32, #tpu.memory_space<vmem>>
    %dma_start3A_13 = tpu.memref_squeeze %dma_start3A_12 : memref<1x128xi32, #tpu.memory_space<vmem>> -> memref<128xi32, #tpu.memory_space<vmem>>
    %dma_start3A_14 = arith.constant 0 : i32
    %dma_start3A_15 = arith.constant 0 : i32
    %dma_start3A_16 = tpu.memref_slice %arg2[%dma_start3A_14, %dma_start3A_15] : memref<10240x64xf32, #tpu.memory_space<hbm>> -> memref<10240x64xf32, #tpu.memory_space<hbm>>
    tpu.enqueue_indirect_dma source(%dma_start3A_16 : memref<10240x64xf32, #tpu.memory_space<hbm>>) target(%arg10 : memref<128x64xf32, #tpu.memory_space<vmem>>) offsets(%dma_start3A_13 : memref<128xi32, #tpu.memory_space<vmem>>) semaphore(%arg12 : memref<!tpu.dma_semaphore, #tpu.memory_space<semaphore_mem>>)
    %add3A_17 = arith.constant 0 : i32
    %add3A_18 = arith.addi %add3A_17, %select_n3A_8 : i32
    %dma_start3A_19 = arith.constant 0 : i32
    %dma_start3A_20 = tpu.memref_slice %arg4[%add3A_18, %dma_start3A_19] : memref<2568x128xi32, #tpu.memory_space<hbm>> -> memref<1x128xi32, #tpu.memory_space<hbm>>
    %dma_start3A_21 = tpu.memref_squeeze %dma_start3A_20 : memref<1x128xi32, #tpu.memory_space<hbm>> -> memref<128xi32, #tpu.memory_space<hbm>>
    %dma_start3A_22 = arith.constant 0 : i32
    %dma_start3A_23 = tpu.memref_slice %arg4[%add3A_18, %dma_start3A_22] : memref<2568x128xi32, #tpu.memory_space<hbm>> -> memref<1x128xi32, #tpu.memory_space<hbm>>
    %dma_start3A_24 = tpu.memref_squeeze %dma_start3A_23 : memref<1x128xi32, #tpu.memory_space<hbm>> -> memref<128xi32, #tpu.memory_space<hbm>>
    tpu.enqueue_dma source(%dma_start3A_24 : memref<128xi32, #tpu.memory_space<hbm>>) target(%arg8 : memref<128xi32, #tpu.memory_space<vmem>>) target_semaphore(%arg14 : memref<!tpu.dma_semaphore, #tpu.memory_space<semaphore_mem>>)
    %jit3A_25 = arith.constant 2 : i32
    %div3A = arith.divsi %select_n3A, %jit3A_25 : i32
    %sign3A = arith.constant 0 : i32
    %sign3A_26 = arith.cmpi sgt, %select_n3A, %sign3A : i32
    %sign3A_27 = arith.extui %sign3A_26 : i1 to i32
    %sign3A_28 = arith.constant 0 : i32
    %sign3A_29 = arith.cmpi slt, %select_n3A, %sign3A_28 : i32
    %sign3A_30 = arith.extui %sign3A_29 : i1 to i32
    %sign3A_31 = arith.subi %sign3A_27, %sign3A_30 : i32
    %sign3A_32 = arith.constant 0 : i32
    %sign3A_33 = arith.cmpi sgt, %jit3A_25, %sign3A_32 : i32
    %sign3A_34 = arith.extui %sign3A_33 : i1 to i32
    %sign3A_35 = arith.constant 0 : i32
    %sign3A_36 = arith.cmpi slt, %jit3A_25, %sign3A_35 : i32
    %sign3A_37 = arith.extui %sign3A_36 : i1 to i32
    %sign3A_38 = arith.subi %sign3A_34, %sign3A_37 : i32
    %ne3A = arith.cmpi ne, %sign3A_31, %sign3A_38 : i32
    %rem3A = arith.remsi %select_n3A, %jit3A_25 : i32
    %ne3A_39 = arith.constant 0 : i32
    %ne3A_40 = arith.cmpi ne, %rem3A, %ne3A_39 : i32
    %and3A = arith.andi %ne3A, %ne3A_40 : i1
    %sub3A = arith.constant 1 : i32
    %sub3A_41 = arith.subi %div3A, %sub3A : i32
    %select_n3A_42 = arith.select %and3A, %sub3A_41, %div3A : i32
    %while3A = arith.constant 0 : i32
    %while3A_43 = arith.constant 0 : i32
    %while3A_44 = arith.subi %select_n3A_42, %while3A_43 : i32
    %while3A_45 = arith.addi %while3A_43, %while3A_44 : i32
    %while3A_46 = arith.constant 1 : i32
    %while3A_47 = arith.divsi %while3A_44, %while3A_46 : i32
    %while3A_48 = arith.muli %while3A_47, %while3A_46 : i32
    %while3A_49 = arith.addi %while3A_43, %while3A_48 : i32
    %while3A_50 = arith.constant 1 : i32
    scf.for %while3A_56 = %while3A_43 to %while3A_49 step %while3A_50  : i32 {
      %mul3A_57 = arith.constant 2 : i32
      %mul3A_58 = arith.muli %while3A_56, %mul3A_57 : i32
      %add3A_59 = arith.constant 0 : i32
      %add3A_60 = arith.addi %mul3A_58, %add3A_59 : i32
      %add3A_61 = arith.constant 1 : i32
      %add3A_62 = arith.addi %add3A_60, %add3A_61 : i32
      %lt3A = arith.cmpi slt, %add3A_62, %select_n3A : i32
      %convert_element_type3A = arith.extui %lt3A : i1 to i32
      %cond3A = arith.constant 0 : i32
      %cond3A_63 = arith.cmpi ne, %convert_element_type3A, %cond3A : i32
      scf.if %cond3A_63 {
        %add3A_99 = arith.constant 1 : i32
        %add3A_100 = arith.addi %add3A_60, %add3A_99 : i32
        %dma_start3A_101 = arith.constant 0 : i32
        %dma_start3A_102 = tpu.memref_slice %arg7[%add3A_100, %dma_start3A_101] : memref<84x128xi32, #tpu.memory_space<vmem>> -> memref<1x128xi32, #tpu.memory_space<vmem>>
        %dma_start3A_103 = tpu.memref_squeeze %dma_start3A_102 : memref<1x128xi32, #tpu.memory_space<vmem>> -> memref<128xi32, #tpu.memory_space<vmem>>
        %dma_start3A_104 = arith.constant 0 : i32
        %dma_start3A_105 = arith.constant 0 : i32
        %dma_start3A_106 = tpu.memref_slice %arg2[%dma_start3A_104, %dma_start3A_105] : memref<10240x64xf32, #tpu.memory_space<hbm>> -> memref<10240x64xf32, #tpu.memory_space<hbm>>
        tpu.enqueue_indirect_dma source(%dma_start3A_106 : memref<10240x64xf32, #tpu.memory_space<hbm>>) target(%arg11 : memref<128x64xf32, #tpu.memory_space<vmem>>) offsets(%dma_start3A_103 : memref<128xi32, #tpu.memory_space<vmem>>) semaphore(%arg13 : memref<!tpu.dma_semaphore, #tpu.memory_space<semaphore_mem>>)
        %add3A_107 = arith.constant 1 : i32
        %add3A_108 = arith.addi %add3A_60, %add3A_107 : i32
        %add3A_109 = arith.addi %add3A_108, %select_n3A_8 : i32
        %dma_start3A_110 = arith.constant 0 : i32
        %dma_start3A_111 = tpu.memref_slice %arg4[%add3A_109, %dma_start3A_110] : memref<2568x128xi32, #tpu.memory_space<hbm>> -> memref<1x128xi32, #tpu.memory_space<hbm>>
        %dma_start3A_112 = tpu.memref_squeeze %dma_start3A_111 : memref<1x128xi32, #tpu.memory_space<hbm>> -> memref<128xi32, #tpu.memory_space<hbm>>
        %dma_start3A_113 = arith.constant 0 : i32
        %dma_start3A_114 = tpu.memref_slice %arg4[%add3A_109, %dma_start3A_113] : memref<2568x128xi32, #tpu.memory_space<hbm>> -> memref<1x128xi32, #tpu.memory_space<hbm>>
        %dma_start3A_115 = tpu.memref_squeeze %dma_start3A_114 : memref<1x128xi32, #tpu.memory_space<hbm>> -> memref<128xi32, #tpu.memory_space<hbm>>
        tpu.enqueue_dma source(%dma_start3A_115 : memref<128xi32, #tpu.memory_space<hbm>>) target(%arg9 : memref<128xi32, #tpu.memory_space<vmem>>) target_semaphore(%arg15 : memref<!tpu.dma_semaphore, #tpu.memory_space<semaphore_mem>>)
      } else {
      }
      %dma_wait3A = arith.constant 0 : i32
      %dma_wait3A_64 = tpu.memref_slice %arg7[%add3A_60, %dma_wait3A] : memref<84x128xi32, #tpu.memory_space<vmem>> -> memref<1x128xi32, #tpu.memory_space<vmem>>
      %dma_wait3A_65 = tpu.memref_squeeze %dma_wait3A_64 : memref<1x128xi32, #tpu.memory_space<vmem>> -> memref<128xi32, #tpu.memory_space<vmem>>
      %dma_wait3A_66 = arith.constant 0 : i32
      %dma_wait3A_67 = arith.constant 0 : i32
      %dma_wait3A_68 = tpu.memref_slice %arg2[%dma_wait3A_66, %dma_wait3A_67] : memref<10240x64xf32, #tpu.memory_space<hbm>> -> memref<10240x64xf32, #tpu.memory_space<hbm>>
      tpu.wait_indirect_dma semaphore(%arg12 : memref<!tpu.dma_semaphore, #tpu.memory_space<semaphore_mem>>) src(%dma_wait3A_68 : memref<10240x64xf32, #tpu.memory_space<hbm>>) dst(%arg10 : memref<128x64xf32, #tpu.memory_space<vmem>>)
      %add3A_69 = arith.addi %add3A_60, %select_n3A_8 : i32
      %dma_wait3A_70 = arith.constant 0 : i32
      %dma_wait3A_71 = tpu.memref_slice %arg4[%add3A_69, %dma_wait3A_70] : memref<2568x128xi32, #tpu.memory_space<hbm>> -> memref<1x128xi32, #tpu.memory_space<hbm>>
      %dma_wait3A_72 = tpu.memref_squeeze %dma_wait3A_71 : memref<1x128xi32, #tpu.memory_space<hbm>> -> memref<128xi32, #tpu.memory_space<hbm>>
      %dma_wait3A_73 = arith.constant 0 : i32
      %dma_wait3A_74 = tpu.memref_slice %arg4[%add3A_69, %dma_wait3A_73] : memref<2568x128xi32, #tpu.memory_space<hbm>> -> memref<1x128xi32, #tpu.memory_space<hbm>>
      %dma_wait3A_75 = tpu.memref_squeeze %dma_wait3A_74 : memref<1x128xi32, #tpu.memory_space<hbm>> -> memref<128xi32, #tpu.memory_space<hbm>>
      tpu.wait_dma2 semaphore(%arg14 : memref<!tpu.dma_semaphore, #tpu.memory_space<semaphore_mem>>) src(%dma_wait3A_75 : memref<128xi32, #tpu.memory_space<hbm>>) dst(%arg8 : memref<128xi32, #tpu.memory_space<vmem>>)
      "tpu.region"() ({
        %run_scoped3A = tpu.sem_alloc : memref<!tpu.dma_semaphore, #tpu.memory_space<semaphore_mem>>
        %dma_start3A_99 = arith.constant 0 : i32
        %dma_start3A_100 = arith.constant 0 : i32
        %dma_start3A_101 = tpu.memref_slice %arg16[%dma_start3A_99, %dma_start3A_100] : memref<10240x64xf32, #tpu.memory_space<vmem_shared>> -> memref<10240x64xf32, #tpu.memory_space<vmem_shared>>
        tpu.enqueue_indirect_dma source(%arg10 : memref<128x64xf32, #tpu.memory_space<vmem>>) target(%dma_start3A_101 : memref<10240x64xf32, #tpu.memory_space<vmem_shared>>) offsets(%arg8 : memref<128xi32, #tpu.memory_space<vmem>>) semaphore(%run_scoped3A : memref<!tpu.dma_semaphore, #tpu.memory_space<semaphore_mem>>) {add = true}
        %dma_wait3A_102 = arith.constant 0 : i32
        %dma_wait3A_103 = arith.constant 0 : i32
        %dma_wait3A_104 = tpu.memref_slice %arg16[%dma_wait3A_102, %dma_wait3A_103] : memref<10240x64xf32, #tpu.memory_space<vmem_shared>> -> memref<10240x64xf32, #tpu.memory_space<vmem_shared>>
        tpu.wait_indirect_dma semaphore(%run_scoped3A : memref<!tpu.dma_semaphore, #tpu.memory_space<semaphore_mem>>) src(%arg10 : memref<128x64xf32, #tpu.memory_space<vmem>>) dst(%dma_wait3A_104 : memref<10240x64xf32, #tpu.memory_space<vmem_shared>>)
        tpu.yield
      }) : () -> ()
      %mul3A_76 = arith.constant 2 : i32
      %mul3A_77 = arith.muli %while3A_56, %mul3A_76 : i32
      %add3A_78 = arith.constant 1 : i32
      %add3A_79 = arith.addi %mul3A_77, %add3A_78 : i32
      %add3A_80 = arith.constant 1 : i32
      %add3A_81 = arith.addi %add3A_79, %add3A_80 : i32
      %lt3A_82 = arith.cmpi slt, %add3A_81, %select_n3A : i32
      %convert_element_type3A_83 = arith.extui %lt3A_82 : i1 to i32
      %cond3A_84 = arith.constant 0 : i32
      %cond3A_85 = arith.cmpi ne, %convert_element_type3A_83, %cond3A_84 : i32
      scf.if %cond3A_85 {
        %add3A_99 = arith.constant 1 : i32
        %add3A_100 = arith.addi %add3A_79, %add3A_99 : i32
        %dma_start3A_101 = arith.constant 0 : i32
        %dma_start3A_102 = tpu.memref_slice %arg7[%add3A_100, %dma_start3A_101] : memref<84x128xi32, #tpu.memory_space<vmem>> -> memref<1x128xi32, #tpu.memory_space<vmem>>
        %dma_start3A_103 = tpu.memref_squeeze %dma_start3A_102 : memref<1x128xi32, #tpu.memory_space<vmem>> -> memref<128xi32, #tpu.memory_space<vmem>>
        %dma_start3A_104 = arith.constant 0 : i32
        %dma_start3A_105 = arith.constant 0 : i32
        %dma_start3A_106 = tpu.memref_slice %arg2[%dma_start3A_104, %dma_start3A_105] : memref<10240x64xf32, #tpu.memory_space<hbm>> -> memref<10240x64xf32, #tpu.memory_space<hbm>>
        tpu.enqueue_indirect_dma source(%dma_start3A_106 : memref<10240x64xf32, #tpu.memory_space<hbm>>) target(%arg10 : memref<128x64xf32, #tpu.memory_space<vmem>>) offsets(%dma_start3A_103 : memref<128xi32, #tpu.memory_space<vmem>>) semaphore(%arg12 : memref<!tpu.dma_semaphore, #tpu.memory_space<semaphore_mem>>)
        %add3A_107 = arith.constant 1 : i32
        %add3A_108 = arith.addi %add3A_79, %add3A_107 : i32
        %add3A_109 = arith.addi %add3A_108, %select_n3A_8 : i32
        %dma_start3A_110 = arith.constant 0 : i32
        %dma_start3A_111 = tpu.memref_slice %arg4[%add3A_109, %dma_start3A_110] : memref<2568x128xi32, #tpu.memory_space<hbm>> -> memref<1x128xi32, #tpu.memory_space<hbm>>
        %dma_start3A_112 = tpu.memref_squeeze %dma_start3A_111 : memref<1x128xi32, #tpu.memory_space<hbm>> -> memref<128xi32, #tpu.memory_space<hbm>>
        %dma_start3A_113 = arith.constant 0 : i32
        %dma_start3A_114 = tpu.memref_slice %arg4[%add3A_109, %dma_start3A_113] : memref<2568x128xi32, #tpu.memory_space<hbm>> -> memref<1x128xi32, #tpu.memory_space<hbm>>
        %dma_start3A_115 = tpu.memref_squeeze %dma_start3A_114 : memref<1x128xi32, #tpu.memory_space<hbm>> -> memref<128xi32, #tpu.memory_space<hbm>>
        tpu.enqueue_dma source(%dma_start3A_115 : memref<128xi32, #tpu.memory_space<hbm>>) target(%arg8 : memref<128xi32, #tpu.memory_space<vmem>>) target_semaphore(%arg14 : memref<!tpu.dma_semaphore, #tpu.memory_space<semaphore_mem>>)
      } else {
      }
      %dma_wait3A_86 = arith.constant 0 : i32
      %dma_wait3A_87 = tpu.memref_slice %arg7[%add3A_79, %dma_wait3A_86] : memref<84x128xi32, #tpu.memory_space<vmem>> -> memref<1x128xi32, #tpu.memory_space<vmem>>
      %dma_wait3A_88 = tpu.memref_squeeze %dma_wait3A_87 : memref<1x128xi32, #tpu.memory_space<vmem>> -> memref<128xi32, #tpu.memory_space<vmem>>
      %dma_wait3A_89 = arith.constant 0 : i32
      %dma_wait3A_90 = arith.constant 0 : i32
      %dma_wait3A_91 = tpu.memref_slice %arg2[%dma_wait3A_89, %dma_wait3A_90] : memref<10240x64xf32, #tpu.memory_space<hbm>> -> memref<10240x64xf32, #tpu.memory_space<hbm>>
      tpu.wait_indirect_dma semaphore(%arg13 : memref<!tpu.dma_semaphore, #tpu.memory_space<semaphore_mem>>) src(%dma_wait3A_91 : memref<10240x64xf32, #tpu.memory_space<hbm>>) dst(%arg11 : memref<128x64xf32, #tpu.memory_space<vmem>>)
      %add3A_92 = arith.addi %add3A_79, %select_n3A_8 : i32
      %dma_wait3A_93 = arith.constant 0 : i32
      %dma_wait3A_94 = tpu.memref_slice %arg4[%add3A_92, %dma_wait3A_93] : memref<2568x128xi32, #tpu.memory_space<hbm>> -> memref<1x128xi32, #tpu.memory_space<hbm>>
      %dma_wait3A_95 = tpu.memref_squeeze %dma_wait3A_94 : memref<1x128xi32, #tpu.memory_space<hbm>> -> memref<128xi32, #tpu.memory_space<hbm>>
      %dma_wait3A_96 = arith.constant 0 : i32
      %dma_wait3A_97 = tpu.memref_slice %arg4[%add3A_92, %dma_wait3A_96] : memref<2568x128xi32, #tpu.memory_space<hbm>> -> memref<1x128xi32, #tpu.memory_space<hbm>>
      %dma_wait3A_98 = tpu.memref_squeeze %dma_wait3A_97 : memref<1x128xi32, #tpu.memory_space<hbm>> -> memref<128xi32, #tpu.memory_space<hbm>>
      tpu.wait_dma2 semaphore(%arg15 : memref<!tpu.dma_semaphore, #tpu.memory_space<semaphore_mem>>) src(%dma_wait3A_98 : memref<128xi32, #tpu.memory_space<hbm>>) dst(%arg9 : memref<128xi32, #tpu.memory_space<vmem>>)
      "tpu.region"() ({
        %run_scoped3A = tpu.sem_alloc : memref<!tpu.dma_semaphore, #tpu.memory_space<semaphore_mem>>
        %dma_start3A_99 = arith.constant 0 : i32
        %dma_start3A_100 = arith.constant 0 : i32
        %dma_start3A_101 = tpu.memref_slice %arg16[%dma_start3A_99, %dma_start3A_100] : memref<10240x64xf32, #tpu.memory_space<vmem_shared>> -> memref<10240x64xf32, #tpu.memory_space<vmem_shared>>
        tpu.enqueue_indirect_dma source(%arg11 : memref<128x64xf32, #tpu.memory_space<vmem>>) target(%dma_start3A_101 : memref<10240x64xf32, #tpu.memory_space<vmem_shared>>) offsets(%arg9 : memref<128xi32, #tpu.memory_space<vmem>>) semaphore(%run_scoped3A : memref<!tpu.dma_semaphore, #tpu.memory_space<semaphore_mem>>) {add = true}
        %dma_wait3A_102 = arith.constant 0 : i32
        %dma_wait3A_103 = arith.constant 0 : i32
        %dma_wait3A_104 = tpu.memref_slice %arg16[%dma_wait3A_102, %dma_wait3A_103] : memref<10240x64xf32, #tpu.memory_space<vmem_shared>> -> memref<10240x64xf32, #tpu.memory_space<vmem_shared>>
        tpu.wait_indirect_dma semaphore(%run_scoped3A : memref<!tpu.dma_semaphore, #tpu.memory_space<semaphore_mem>>) src(%arg11 : memref<128x64xf32, #tpu.memory_space<vmem>>) dst(%dma_wait3A_104 : memref<10240x64xf32, #tpu.memory_space<vmem_shared>>)
        tpu.yield
      }) : () -> ()
    }
    %while3A_51 = arith.constant 1 : i32
    scf.for %while3A_56 = %while3A_49 to %while3A_45 step %while3A_51  : i32 {
      %mul3A_57 = arith.constant 2 : i32
      %mul3A_58 = arith.muli %while3A_56, %mul3A_57 : i32
      %add3A_59 = arith.constant 0 : i32
      %add3A_60 = arith.addi %mul3A_58, %add3A_59 : i32
      %add3A_61 = arith.constant 1 : i32
      %add3A_62 = arith.addi %add3A_60, %add3A_61 : i32
      %lt3A = arith.cmpi slt, %add3A_62, %select_n3A : i32
      %convert_element_type3A = arith.extui %lt3A : i1 to i32
      %cond3A = arith.constant 0 : i32
      %cond3A_63 = arith.cmpi ne, %convert_element_type3A, %cond3A : i32
      scf.if %cond3A_63 {
        %add3A_99 = arith.constant 1 : i32
        %add3A_100 = arith.addi %add3A_60, %add3A_99 : i32
        %dma_start3A_101 = arith.constant 0 : i32
        %dma_start3A_102 = tpu.memref_slice %arg7[%add3A_100, %dma_start3A_101] : memref<84x128xi32, #tpu.memory_space<vmem>> -> memref<1x128xi32, #tpu.memory_space<vmem>>
        %dma_start3A_103 = tpu.memref_squeeze %dma_start3A_102 : memref<1x128xi32, #tpu.memory_space<vmem>> -> memref<128xi32, #tpu.memory_space<vmem>>
        %dma_start3A_104 = arith.constant 0 : i32
        %dma_start3A_105 = arith.constant 0 : i32
        %dma_start3A_106 = tpu.memref_slice %arg2[%dma_start3A_104, %dma_start3A_105] : memref<10240x64xf32, #tpu.memory_space<hbm>> -> memref<10240x64xf32, #tpu.memory_space<hbm>>
        tpu.enqueue_indirect_dma source(%dma_start3A_106 : memref<10240x64xf32, #tpu.memory_space<hbm>>) target(%arg11 : memref<128x64xf32, #tpu.memory_space<vmem>>) offsets(%dma_start3A_103 : memref<128xi32, #tpu.memory_space<vmem>>) semaphore(%arg13 : memref<!tpu.dma_semaphore, #tpu.memory_space<semaphore_mem>>)
        %add3A_107 = arith.constant 1 : i32
        %add3A_108 = arith.addi %add3A_60, %add3A_107 : i32
        %add3A_109 = arith.addi %add3A_108, %select_n3A_8 : i32
        %dma_start3A_110 = arith.constant 0 : i32
        %dma_start3A_111 = tpu.memref_slice %arg4[%add3A_109, %dma_start3A_110] : memref<2568x128xi32, #tpu.memory_space<hbm>> -> memref<1x128xi32, #tpu.memory_space<hbm>>
        %dma_start3A_112 = tpu.memref_squeeze %dma_start3A_111 : memref<1x128xi32, #tpu.memory_space<hbm>> -> memref<128xi32, #tpu.memory_space<hbm>>
        %dma_start3A_113 = arith.constant 0 : i32
        %dma_start3A_114 = tpu.memref_slice %arg4[%add3A_109, %dma_start3A_113] : memref<2568x128xi32, #tpu.memory_space<hbm>> -> memref<1x128xi32, #tpu.memory_space<hbm>>
        %dma_start3A_115 = tpu.memref_squeeze %dma_start3A_114 : memref<1x128xi32, #tpu.memory_space<hbm>> -> memref<128xi32, #tpu.memory_space<hbm>>
        tpu.enqueue_dma source(%dma_start3A_115 : memref<128xi32, #tpu.memory_space<hbm>>) target(%arg9 : memref<128xi32, #tpu.memory_space<vmem>>) target_semaphore(%arg15 : memref<!tpu.dma_semaphore, #tpu.memory_space<semaphore_mem>>)
      } else {
      }
      %dma_wait3A = arith.constant 0 : i32
      %dma_wait3A_64 = tpu.memref_slice %arg7[%add3A_60, %dma_wait3A] : memref<84x128xi32, #tpu.memory_space<vmem>> -> memref<1x128xi32, #tpu.memory_space<vmem>>
      %dma_wait3A_65 = tpu.memref_squeeze %dma_wait3A_64 : memref<1x128xi32, #tpu.memory_space<vmem>> -> memref<128xi32, #tpu.memory_space<vmem>>
      %dma_wait3A_66 = arith.constant 0 : i32
      %dma_wait3A_67 = arith.constant 0 : i32
      %dma_wait3A_68 = tpu.memref_slice %arg2[%dma_wait3A_66, %dma_wait3A_67] : memref<10240x64xf32, #tpu.memory_space<hbm>> -> memref<10240x64xf32, #tpu.memory_space<hbm>>
      tpu.wait_indirect_dma semaphore(%arg12 : memref<!tpu.dma_semaphore, #tpu.memory_space<semaphore_mem>>) src(%dma_wait3A_68 : memref<10240x64xf32, #tpu.memory_space<hbm>>) dst(%arg10 : memref<128x64xf32, #tpu.memory_space<vmem>>)
      %add3A_69 = arith.addi %add3A_60, %select_n3A_8 : i32
      %dma_wait3A_70 = arith.constant 0 : i32
      %dma_wait3A_71 = tpu.memref_slice %arg4[%add3A_69, %dma_wait3A_70] : memref<2568x128xi32, #tpu.memory_space<hbm>> -> memref<1x128xi32, #tpu.memory_space<hbm>>
      %dma_wait3A_72 = tpu.memref_squeeze %dma_wait3A_71 : memref<1x128xi32, #tpu.memory_space<hbm>> -> memref<128xi32, #tpu.memory_space<hbm>>
      %dma_wait3A_73 = arith.constant 0 : i32
      %dma_wait3A_74 = tpu.memref_slice %arg4[%add3A_69, %dma_wait3A_73] : memref<2568x128xi32, #tpu.memory_space<hbm>> -> memref<1x128xi32, #tpu.memory_space<hbm>>
      %dma_wait3A_75 = tpu.memref_squeeze %dma_wait3A_74 : memref<1x128xi32, #tpu.memory_space<hbm>> -> memref<128xi32, #tpu.memory_space<hbm>>
      tpu.wait_dma2 semaphore(%arg14 : memref<!tpu.dma_semaphore, #tpu.memory_space<semaphore_mem>>) src(%dma_wait3A_75 : memref<128xi32, #tpu.memory_space<hbm>>) dst(%arg8 : memref<128xi32, #tpu.memory_space<vmem>>)
      "tpu.region"() ({
        %run_scoped3A = tpu.sem_alloc : memref<!tpu.dma_semaphore, #tpu.memory_space<semaphore_mem>>
        %dma_start3A_99 = arith.constant 0 : i32
        %dma_start3A_100 = arith.constant 0 : i32
        %dma_start3A_101 = tpu.memref_slice %arg16[%dma_start3A_99, %dma_start3A_100] : memref<10240x64xf32, #tpu.memory_space<vmem_shared>> -> memref<10240x64xf32, #tpu.memory_space<vmem_shared>>
        tpu.enqueue_indirect_dma source(%arg10 : memref<128x64xf32, #tpu.memory_space<vmem>>) target(%dma_start3A_101 : memref<10240x64xf32, #tpu.memory_space<vmem_shared>>) offsets(%arg8 : memref<128xi32, #tpu.memory_space<vmem>>) semaphore(%run_scoped3A : memref<!tpu.dma_semaphore, #tpu.memory_space<semaphore_mem>>) {add = true}
        %dma_wait3A_102 = arith.constant 0 : i32
        %dma_wait3A_103 = arith.constant 0 : i32
        %dma_wait3A_104 = tpu.memref_slice %arg16[%dma_wait3A_102, %dma_wait3A_103] : memref<10240x64xf32, #tpu.memory_space<vmem_shared>> -> memref<10240x64xf32, #tpu.memory_space<vmem_shared>>
        tpu.wait_indirect_dma semaphore(%run_scoped3A : memref<!tpu.dma_semaphore, #tpu.memory_space<semaphore_mem>>) src(%arg10 : memref<128x64xf32, #tpu.memory_space<vmem>>) dst(%dma_wait3A_104 : memref<10240x64xf32, #tpu.memory_space<vmem_shared>>)
        tpu.yield
      }) : () -> ()
      %mul3A_76 = arith.constant 2 : i32
      %mul3A_77 = arith.muli %while3A_56, %mul3A_76 : i32
      %add3A_78 = arith.constant 1 : i32
      %add3A_79 = arith.addi %mul3A_77, %add3A_78 : i32
      %add3A_80 = arith.constant 1 : i32
      %add3A_81 = arith.addi %add3A_79, %add3A_80 : i32
      %lt3A_82 = arith.cmpi slt, %add3A_81, %select_n3A : i32
      %convert_element_type3A_83 = arith.extui %lt3A_82 : i1 to i32
      %cond3A_84 = arith.constant 0 : i32
      %cond3A_85 = arith.cmpi ne, %convert_element_type3A_83, %cond3A_84 : i32
      scf.if %cond3A_85 {
        %add3A_99 = arith.constant 1 : i32
        %add3A_100 = arith.addi %add3A_79, %add3A_99 : i32
        %dma_start3A_101 = arith.constant 0 : i32
        %dma_start3A_102 = tpu.memref_slice %arg7[%add3A_100, %dma_start3A_101] : memref<84x128xi32, #tpu.memory_space<vmem>> -> memref<1x128xi32, #tpu.memory_space<vmem>>
        %dma_start3A_103 = tpu.memref_squeeze %dma_start3A_102 : memref<1x128xi32, #tpu.memory_space<vmem>> -> memref<128xi32, #tpu.memory_space<vmem>>
        %dma_start3A_104 = arith.constant 0 : i32
        %dma_start3A_105 = arith.constant 0 : i32
        %dma_start3A_106 = tpu.memref_slice %arg2[%dma_start3A_104, %dma_start3A_105] : memref<10240x64xf32, #tpu.memory_space<hbm>> -> memref<10240x64xf32, #tpu.memory_space<hbm>>
        tpu.enqueue_indirect_dma source(%dma_start3A_106 : memref<10240x64xf32, #tpu.memory_space<hbm>>) target(%arg10 : memref<128x64xf32, #tpu.memory_space<vmem>>) offsets(%dma_start3A_103 : memref<128xi32, #tpu.memory_space<vmem>>) semaphore(%arg12 : memref<!tpu.dma_semaphore, #tpu.memory_space<semaphore_mem>>)
        %add3A_107 = arith.constant 1 : i32
        %add3A_108 = arith.addi %add3A_79, %add3A_107 : i32
        %add3A_109 = arith.addi %add3A_108, %select_n3A_8 : i32
        %dma_start3A_110 = arith.constant 0 : i32
        %dma_start3A_111 = tpu.memref_slice %arg4[%add3A_109, %dma_start3A_110] : memref<2568x128xi32, #tpu.memory_space<hbm>> -> memref<1x128xi32, #tpu.memory_space<hbm>>
        %dma_start3A_112 = tpu.memref_squeeze %dma_start3A_111 : memref<1x128xi32, #tpu.memory_space<hbm>> -> memref<128xi32, #tpu.memory_space<hbm>>
        %dma_start3A_113 = arith.constant 0 : i32
        %dma_start3A_114 = tpu.memref_slice %arg4[%add3A_109, %dma_start3A_113] : memref<2568x128xi32, #tpu.memory_space<hbm>> -> memref<1x128xi32, #tpu.memory_space<hbm>>
        %dma_start3A_115 = tpu.memref_squeeze %dma_start3A_114 : memref<1x128xi32, #tpu.memory_space<hbm>> -> memref<128xi32, #tpu.memory_space<hbm>>
        tpu.enqueue_dma source(%dma_start3A_115 : memref<128xi32, #tpu.memory_space<hbm>>) target(%arg8 : memref<128xi32, #tpu.memory_space<vmem>>) target_semaphore(%arg14 : memref<!tpu.dma_semaphore, #tpu.memory_space<semaphore_mem>>)
      } else {
      }
      %dma_wait3A_86 = arith.constant 0 : i32
      %dma_wait3A_87 = tpu.memref_slice %arg7[%add3A_79, %dma_wait3A_86] : memref<84x128xi32, #tpu.memory_space<vmem>> -> memref<1x128xi32, #tpu.memory_space<vmem>>
      %dma_wait3A_88 = tpu.memref_squeeze %dma_wait3A_87 : memref<1x128xi32, #tpu.memory_space<vmem>> -> memref<128xi32, #tpu.memory_space<vmem>>
      %dma_wait3A_89 = arith.constant 0 : i32
      %dma_wait3A_90 = arith.constant 0 : i32
      %dma_wait3A_91 = tpu.memref_slice %arg2[%dma_wait3A_89, %dma_wait3A_90] : memref<10240x64xf32, #tpu.memory_space<hbm>> -> memref<10240x64xf32, #tpu.memory_space<hbm>>
      tpu.wait_indirect_dma semaphore(%arg13 : memref<!tpu.dma_semaphore, #tpu.memory_space<semaphore_mem>>) src(%dma_wait3A_91 : memref<10240x64xf32, #tpu.memory_space<hbm>>) dst(%arg11 : memref<128x64xf32, #tpu.memory_space<vmem>>)
      %add3A_92 = arith.addi %add3A_79, %select_n3A_8 : i32
      %dma_wait3A_93 = arith.constant 0 : i32
      %dma_wait3A_94 = tpu.memref_slice %arg4[%add3A_92, %dma_wait3A_93] : memref<2568x128xi32, #tpu.memory_space<hbm>> -> memref<1x128xi32, #tpu.memory_space<hbm>>
      %dma_wait3A_95 = tpu.memref_squeeze %dma_wait3A_94 : memref<1x128xi32, #tpu.memory_space<hbm>> -> memref<128xi32, #tpu.memory_space<hbm>>
      %dma_wait3A_96 = arith.constant 0 : i32
      %dma_wait3A_97 = tpu.memref_slice %arg4[%add3A_92, %dma_wait3A_96] : memref<2568x128xi32, #tpu.memory_space<hbm>> -> memref<1x128xi32, #tpu.memory_space<hbm>>
      %dma_wait3A_98 = tpu.memref_squeeze %dma_wait3A_97 : memref<1x128xi32, #tpu.memory_space<hbm>> -> memref<128xi32, #tpu.memory_space<hbm>>
      tpu.wait_dma2 semaphore(%arg15 : memref<!tpu.dma_semaphore, #tpu.memory_space<semaphore_mem>>) src(%dma_wait3A_98 : memref<128xi32, #tpu.memory_space<hbm>>) dst(%arg9 : memref<128xi32, #tpu.memory_space<vmem>>)
      "tpu.region"() ({
        %run_scoped3A = tpu.sem_alloc : memref<!tpu.dma_semaphore, #tpu.memory_space<semaphore_mem>>
        %dma_start3A_99 = arith.constant 0 : i32
        %dma_start3A_100 = arith.constant 0 : i32
        %dma_start3A_101 = tpu.memref_slice %arg16[%dma_start3A_99, %dma_start3A_100] : memref<10240x64xf32, #tpu.memory_space<vmem_shared>> -> memref<10240x64xf32, #tpu.memory_space<vmem_shared>>
        tpu.enqueue_indirect_dma source(%arg11 : memref<128x64xf32, #tpu.memory_space<vmem>>) target(%dma_start3A_101 : memref<10240x64xf32, #tpu.memory_space<vmem_shared>>) offsets(%arg9 : memref<128xi32, #tpu.memory_space<vmem>>) semaphore(%run_scoped3A : memref<!tpu.dma_semaphore, #tpu.memory_space<semaphore_mem>>) {add = true}
        %dma_wait3A_102 = arith.constant 0 : i32
        %dma_wait3A_103 = arith.constant 0 : i32
        %dma_wait3A_104 = tpu.memref_slice %arg16[%dma_wait3A_102, %dma_wait3A_103] : memref<10240x64xf32, #tpu.memory_space<vmem_shared>> -> memref<10240x64xf32, #tpu.memory_space<vmem_shared>>
        tpu.wait_indirect_dma semaphore(%run_scoped3A : memref<!tpu.dma_semaphore, #tpu.memory_space<semaphore_mem>>) src(%arg11 : memref<128x64xf32, #tpu.memory_space<vmem>>) dst(%dma_wait3A_104 : memref<10240x64xf32, #tpu.memory_space<vmem_shared>>)
        tpu.yield
      }) : () -> ()
    }
    %barrier3A_52 = arith.constant 0 : index
    tpu.barrier barrier_id(%barrier3A_52)
    %mul3A_53 = arith.constant 10240 : i32
    %mul3A_54 = arith.muli %arg0, %mul3A_53 : i32
    %add3A_55 = arith.addi %mul3A_54, %mul3A_10 : i32
    "tpu.region"() ({
      %run_scoped3A = tpu.sem_alloc : memref<!tpu.dma_semaphore, #tpu.memory_space<semaphore_mem>>
      %dma_start3A_56 = arith.constant 0 : i32
      %dma_start3A_57 = tpu.memref_slice %arg6[%add3A_55, %dma_start3A_56] : memref<20480x64xf32, #tpu.memory_space<hbm>> -> memref<640x64xf32, #tpu.memory_space<hbm>>
      %dma_start3A_58 = arith.constant 0 : i32
      %dma_start3A_59 = tpu.memref_slice %arg16[%mul3A_10, %dma_start3A_58] : memref<10240x64xf32, #tpu.memory_space<vmem_shared>> -> memref<640x64xf32, #tpu.memory_space<vmem_shared>>
      tpu.enqueue_dma source(%dma_start3A_59 : memref<640x64xf32, #tpu.memory_space<vmem_shared>>) target(%dma_start3A_57 : memref<640x64xf32, #tpu.memory_space<hbm>>) target_semaphore(%run_scoped3A : memref<!tpu.dma_semaphore, #tpu.memory_space<semaphore_mem>>)
      %dma_wait3A = arith.constant 0 : i32
      %dma_wait3A_60 = tpu.memref_slice %arg6[%add3A_55, %dma_wait3A] : memref<20480x64xf32, #tpu.memory_space<hbm>> -> memref<640x64xf32, #tpu.memory_space<hbm>>
      %dma_wait3A_61 = arith.constant 0 : i32
      %dma_wait3A_62 = tpu.memref_slice %arg16[%mul3A_10, %dma_wait3A_61] : memref<10240x64xf32, #tpu.memory_space<vmem_shared>> -> memref<640x64xf32, #tpu.memory_space<vmem_shared>>
      tpu.wait_dma2 semaphore(%run_scoped3A : memref<!tpu.dma_semaphore, #tpu.memory_space<semaphore_mem>>) src(%dma_wait3A_62 : memref<640x64xf32, #tpu.memory_space<vmem_shared>>) dst(%dma_wait3A_60 : memref<640x64xf32, #tpu.memory_space<hbm>>)
      tpu.yield
    }) : () -> ()
    return
  }
}

module attributes {stable_mosaic.version = 14 : i64} {
  func.func @_tca_body(%arg0: memref<20480x16xf32, #tpu.memory_space<vmem>>, %arg1: memref<10240x128xf32, #tpu.memory_space<vmem>>, %arg2: memref<128x128xf32, #tpu.memory_space<vmem>>, %arg3: memref<10240x128xf32, #tpu.memory_space<vmem>>) attributes {dimension_semantics = [], scalar_prefetch = 0 : i64, scratch_operands = 0 : i64, tpu.core_type = #tpu.core_type<tc>} {
    %get3A = arith.constant 0 : index
    %get3A_0 = arith.constant 0 : index
    %get3A_1 = vector.load %arg0[%get3A, %get3A_0] : memref<20480x16xf32, #tpu.memory_space<vmem>>, vector<20480x16xf32>
    %slice3A = vector.extract_strided_slice %get3A_1 {offsets = [0, 0], sizes = [10240, 1], strides = [1, 1]} : vector<20480x16xf32> to vector<10240x1xf32>
    %slice3A_2 = vector.extract_strided_slice %get3A_1 {offsets = [10240, 0], sizes = [10240, 1], strides = [1, 1]} : vector<20480x16xf32> to vector<10240x1xf32>
    %add3A = arith.addf %slice3A, %slice3A_2 : vector<10240x1xf32>
    %add3A_3 = arith.constant 1.000000e+00 : f32
    %add3A_4 = vector.broadcast %add3A_3 : f32 to vector<10240x1xf32>
    %add3A_5 = arith.addf %add3A, %add3A_4 : vector<10240x1xf32>
    %iota3A = tpu.iota {dimensions = array<i32: 0>} : vector<10240x1xi32>
    %lt3A = arith.constant 10000 : i32
    %lt3A_6 = vector.broadcast %lt3A : i32 to vector<10240x1xi32>
    %lt3A_7 = arith.cmpi slt, %iota3A, %lt3A_6 : vector<10240x1xi32>
    %rsqrt3A = math.rsqrt %add3A_5 : vector<10240x1xf32>
    %jit3A = arith.constant 0.000000e+00 : f32
    %broadcast_in_dim3A = vector.broadcast %jit3A : f32 to vector<10240x1xf32>
    %select_n3A = arith.select %lt3A_7, %rsqrt3A, %broadcast_in_dim3A : vector<10240x1xi1>, vector<10240x1xf32>
    %get3A_8 = arith.constant 0 : index
    %get3A_9 = arith.constant 0 : index
    %get3A_10 = vector.load %arg1[%get3A_8, %get3A_9] : memref<10240x128xf32, #tpu.memory_space<vmem>>, vector<10240x128xf32>
    %get3A_11 = arith.constant 0 : index
    %get3A_12 = arith.constant 0 : index
    %get3A_13 = vector.load %arg2[%get3A_11, %get3A_12] : memref<128x128xf32, #tpu.memory_space<vmem>>, vector<128x128xf32>
    %dot_general3A = arith.constant dense<0.000000e+00> : vector<10240x128xf32>
    %dot_general3A_14 = tpu.matmul %get3A_10, %get3A_13, %dot_general3A {dimension_numbers = #tpu.dot_dimension_numbers<[1], [0], [0], [1], [0, 0, 1, 1], [], []>, transpose_lhs_hint = false} : vector<10240x128xf32>, vector<128x128xf32>, vector<10240x128xf32> -> vector<10240x128xf32>
    %mul3A = vector.broadcast %select_n3A : vector<10240x1xf32> to vector<10240x128xf32>
    %mul3A_15 = arith.mulf %dot_general3A_14, %mul3A : vector<10240x128xf32>
    %swap3A = arith.constant 0 : index
    %swap3A_16 = arith.constant 0 : index
    %swap3A_17 = vector.load %arg3[%swap3A, %swap3A_16] : memref<10240x128xf32, #tpu.memory_space<vmem>>, vector<10240x128xf32>
    tpu.vector_store %arg3[%swap3A, %swap3A_16], %mul3A_15 {strides = array<i32>} : memref<10240x128xf32, #tpu.memory_space<vmem>>, vector<10240x128xf32>,
    return
  }
}

module attributes {stable_mosaic.version = 14 : i64} {
  func.func @_tcb_body(%arg0: memref<20480x16xf32, #tpu.memory_space<vmem>>, %arg1: memref<20480x128xf32, #tpu.memory_space<vmem>>, %arg2: memref<10240x128xf32, #tpu.memory_space<vmem>>, %arg3: memref<1x128xf32, #tpu.memory_space<vmem>>, %arg4: memref<1x128xf32, #tpu.memory_space<vmem>>, %arg5: memref<1x128xf32, #tpu.memory_space<vmem>>, %arg6: memref<128x64xf32, #tpu.memory_space<vmem>>, %arg7: memref<10240x64xf32, #tpu.memory_space<vmem>>) attributes {dimension_semantics = [], scalar_prefetch = 0 : i64, scratch_operands = 0 : i64, tpu.core_type = #tpu.core_type<tc>} {
    %get3A = arith.constant 0 : index
    %get3A_0 = arith.constant 0 : index
    %get3A_1 = vector.load %arg0[%get3A, %get3A_0] : memref<20480x16xf32, #tpu.memory_space<vmem>>, vector<20480x16xf32>
    %slice3A = vector.extract_strided_slice %get3A_1 {offsets = [0, 0], sizes = [10240, 1], strides = [1, 1]} : vector<20480x16xf32> to vector<10240x1xf32>
    %slice3A_2 = vector.extract_strided_slice %get3A_1 {offsets = [10240, 0], sizes = [10240, 1], strides = [1, 1]} : vector<20480x16xf32> to vector<10240x1xf32>
    %add3A = arith.addf %slice3A, %slice3A_2 : vector<10240x1xf32>
    %add3A_3 = arith.constant 1.000000e+00 : f32
    %add3A_4 = vector.broadcast %add3A_3 : f32 to vector<10240x1xf32>
    %add3A_5 = arith.addf %add3A, %add3A_4 : vector<10240x1xf32>
    %iota3A = tpu.iota {dimensions = array<i32: 0>} : vector<10240x1xi32>
    %lt3A = arith.constant 10000 : i32
    %lt3A_6 = vector.broadcast %lt3A : i32 to vector<10240x1xi32>
    %lt3A_7 = arith.cmpi slt, %iota3A, %lt3A_6 : vector<10240x1xi32>
    %rsqrt3A = math.rsqrt %add3A_5 : vector<10240x1xf32>
    %jit3A = arith.constant 0.000000e+00 : f32
    %broadcast_in_dim3A = vector.broadcast %jit3A : f32 to vector<10240x1xf32>
    %select_n3A = arith.select %lt3A_7, %rsqrt3A, %broadcast_in_dim3A : vector<10240x1xi1>, vector<10240x1xf32>
    %get3A_8 = arith.constant 0 : index
    %get3A_9 = arith.constant 0 : index
    %get3A_10 = vector.load %arg1[%get3A_8, %get3A_9] : memref<20480x128xf32, #tpu.memory_space<vmem>>, vector<10240x128xf32>
    %get3A_11 = arith.constant 10240 : index
    %get3A_12 = arith.constant 0 : index
    %get3A_13 = vector.load %arg1[%get3A_11, %get3A_12] : memref<20480x128xf32, #tpu.memory_space<vmem>>, vector<10240x128xf32>
    %add3A_14 = arith.addf %get3A_10, %get3A_13 : vector<10240x128xf32>
    %get3A_15 = arith.constant 0 : index
    %get3A_16 = arith.constant 0 : index
    %get3A_17 = vector.load %arg2[%get3A_15, %get3A_16] : memref<10240x128xf32, #tpu.memory_space<vmem>>, vector<10240x128xf32>
    %add3A_18 = arith.addf %add3A_14, %get3A_17 : vector<10240x128xf32>
    %mul3A = vector.broadcast %select_n3A : vector<10240x1xf32> to vector<10240x128xf32>
    %mul3A_19 = arith.mulf %add3A_18, %mul3A : vector<10240x128xf32>
    %get3A_20 = arith.constant 0 : index
    %get3A_21 = arith.constant 0 : index
    %get3A_22 = vector.load %arg3[%get3A_20, %get3A_21] : memref<1x128xf32, #tpu.memory_space<vmem>>, vector<1x128xf32>
    %add3A_23 = vector.broadcast %get3A_22 : vector<1x128xf32> to vector<10240x128xf32>
    %add3A_24 = arith.addf %mul3A_19, %add3A_23 : vector<10240x128xf32>
    %get3A_25 = arith.constant 0 : index
    %get3A_26 = arith.constant 0 : index
    %get3A_27 = vector.load %arg4[%get3A_25, %get3A_26] : memref<1x128xf32, #tpu.memory_space<vmem>>, vector<1x128xf32>
    %get3A_28 = arith.constant 0 : index
    %get3A_29 = arith.constant 0 : index
    %get3A_30 = vector.load %arg5[%get3A_28, %get3A_29] : memref<1x128xf32, #tpu.memory_space<vmem>>, vector<1x128xf32>
    %lt3A_31 = arith.constant 10000 : i32
    %lt3A_32 = vector.broadcast %lt3A_31 : i32 to vector<10240x1xi32>
    %lt3A_33 = arith.cmpi slt, %iota3A, %lt3A_32 : vector<10240x1xi32>
    %jit3A_34 = arith.constant 0.000000e+00 : f32
    %broadcast_in_dim3A_35 = vector.shape_cast %lt3A_33 : vector<10240x1xi1> to vector<10240x1xi1>
    %broadcast_in_dim3A_36 = vector.broadcast %broadcast_in_dim3A_35 : vector<10240x1xi1> to vector<10240x128xi1>
    %broadcast_in_dim3A_37 = vector.broadcast %jit3A_34 : f32 to vector<10240x128xf32>
    %select_n3A_38 = arith.select %broadcast_in_dim3A_36, %add3A_24, %broadcast_in_dim3A_37 : vector<10240x128xi1>, vector<10240x128xf32>
    %reduce_sum3A = arith.constant dense<0.000000e+00> : vector<128xf32>
    %reduce_sum3A_39 = vector.multi_reduction <add>, %select_n3A_38, %reduce_sum3A [0] : vector<10240x128xf32> to vector<128xf32>
    %broadcast_in_dim3A_40 = vector.shape_cast %reduce_sum3A_39 : vector<128xf32> to vector<1x128xf32>
    %mul3A_41 = arith.constant 9.99999974E-5 : f32
    %mul3A_42 = vector.broadcast %mul3A_41 : f32 to vector<1x128xf32>
    %mul3A_43 = arith.mulf %broadcast_in_dim3A_40, %mul3A_42 : vector<1x128xf32>
    %lt3A_44 = arith.constant 10000 : i32
    %lt3A_45 = vector.broadcast %lt3A_44 : i32 to vector<10240x1xi32>
    %lt3A_46 = arith.cmpi slt, %iota3A, %lt3A_45 : vector<10240x1xi32>
    %sub3A = vector.broadcast %mul3A_43 : vector<1x128xf32> to vector<10240x128xf32>
    %sub3A_47 = arith.subf %select_n3A_38, %sub3A : vector<10240x128xf32>
    %jit3A_48 = arith.constant 0.000000e+00 : f32
    %broadcast_in_dim3A_49 = vector.shape_cast %lt3A_46 : vector<10240x1xi1> to vector<10240x1xi1>
    %broadcast_in_dim3A_50 = vector.broadcast %broadcast_in_dim3A_49 : vector<10240x1xi1> to vector<10240x128xi1>
    %broadcast_in_dim3A_51 = vector.broadcast %jit3A_48 : f32 to vector<10240x128xf32>
    %select_n3A_52 = arith.select %broadcast_in_dim3A_50, %sub3A_47, %broadcast_in_dim3A_51 : vector<10240x128xi1>, vector<10240x128xf32>
    %mul3A_53 = arith.mulf %select_n3A_52, %select_n3A_52 : vector<10240x128xf32>
    %reduce_sum3A_54 = arith.constant dense<0.000000e+00> : vector<128xf32>
    %reduce_sum3A_55 = vector.multi_reduction <add>, %mul3A_53, %reduce_sum3A_54 [0] : vector<10240x128xf32> to vector<128xf32>
    %broadcast_in_dim3A_56 = vector.shape_cast %reduce_sum3A_55 : vector<128xf32> to vector<1x128xf32>
    %mul3A_57 = arith.constant 9.99999974E-5 : f32
    %mul3A_58 = vector.broadcast %mul3A_57 : f32 to vector<1x128xf32>
    %mul3A_59 = arith.mulf %broadcast_in_dim3A_56, %mul3A_58 : vector<1x128xf32>
    %add3A_60 = arith.constant 9.99999974E-6 : f32
    %add3A_61 = vector.broadcast %add3A_60 : f32 to vector<1x128xf32>
    %add3A_62 = arith.addf %mul3A_59, %add3A_61 : vector<1x128xf32>
    %rsqrt3A_63 = math.rsqrt %add3A_62 : vector<1x128xf32>
    %mul3A_64 = vector.broadcast %rsqrt3A_63 : vector<1x128xf32> to vector<10240x128xf32>
    %mul3A_65 = arith.mulf %select_n3A_52, %mul3A_64 : vector<10240x128xf32>
    %mul3A_66 = vector.broadcast %get3A_27 : vector<1x128xf32> to vector<10240x128xf32>
    %mul3A_67 = arith.mulf %mul3A_65, %mul3A_66 : vector<10240x128xf32>
    %add3A_68 = vector.broadcast %get3A_30 : vector<1x128xf32> to vector<10240x128xf32>
    %add3A_69 = arith.addf %mul3A_67, %add3A_68 : vector<10240x128xf32>
    %lt3A_70 = arith.constant 10000 : i32
    %lt3A_71 = vector.broadcast %lt3A_70 : i32 to vector<10240x1xi32>
    %lt3A_72 = arith.cmpi slt, %iota3A, %lt3A_71 : vector<10240x1xi32>
    %max3A = arith.constant 0.000000e+00 : f32
    %max3A_73 = vector.broadcast %max3A : f32 to vector<10240x128xf32>
    %max3A_74 = arith.maximumf %add3A_69, %max3A_73 : vector<10240x128xf32>
    %jit3A_75 = arith.constant 0.000000e+00 : f32
    %broadcast_in_dim3A_76 = vector.shape_cast %lt3A_72 : vector<10240x1xi1> to vector<10240x1xi1>
    %broadcast_in_dim3A_77 = vector.broadcast %broadcast_in_dim3A_76 : vector<10240x1xi1> to vector<10240x128xi1>
    %broadcast_in_dim3A_78 = vector.broadcast %jit3A_75 : f32 to vector<10240x128xf32>
    %select_n3A_79 = arith.select %broadcast_in_dim3A_77, %max3A_74, %broadcast_in_dim3A_78 : vector<10240x128xi1>, vector<10240x128xf32>
    %get3A_80 = arith.constant 0 : index
    %get3A_81 = arith.constant 0 : index
    %get3A_82 = vector.load %arg6[%get3A_80, %get3A_81] : memref<128x64xf32, #tpu.memory_space<vmem>>, vector<128x64xf32>
    %dot_general3A = arith.constant dense<0.000000e+00> : vector<10240x64xf32>
    %dot_general3A_83 = tpu.matmul %select_n3A_79, %get3A_82, %dot_general3A {dimension_numbers = #tpu.dot_dimension_numbers<[1], [0], [0], [1], [0, 0, 1, 1], [], []>, transpose_lhs_hint = false} : vector<10240x128xf32>, vector<128x64xf32>, vector<10240x64xf32> -> vector<10240x64xf32>
    %mul3A_84 = vector.broadcast %select_n3A : vector<10240x1xf32> to vector<10240x64xf32>
    %mul3A_85 = arith.mulf %dot_general3A_83, %mul3A_84 : vector<10240x64xf32>
    %swap3A = arith.constant 0 : index
    %swap3A_86 = arith.constant 0 : index
    %swap3A_87 = vector.load %arg7[%swap3A, %swap3A_86] : memref<10240x64xf32, #tpu.memory_space<vmem>>, vector<10240x64xf32>
    tpu.vector_store %arg7[%swap3A, %swap3A_86], %mul3A_85 {strides = array<i32>} : memref<10240x64xf32, #tpu.memory_space<vmem>>, vector<10240x64xf32>,
    return
  }
}

module attributes {stable_mosaic.version = 14 : i64} {
  func.func @_tcc_body(%arg0: memref<20480x16xf32, #tpu.memory_space<vmem>>, %arg1: memref<20480x64xf32, #tpu.memory_space<vmem>>, %arg2: memref<10240x64xf32, #tpu.memory_space<vmem>>, %arg3: memref<1x64xf32, #tpu.memory_space<vmem>>, %arg4: memref<1x64xf32, #tpu.memory_space<vmem>>, %arg5: memref<1x64xf32, #tpu.memory_space<vmem>>, %arg6: memref<10000x64xf32, #tpu.memory_space<vmem>>) attributes {dimension_semantics = [], scalar_prefetch = 0 : i64, scratch_operands = 0 : i64, tpu.core_type = #tpu.core_type<tc>} {
    %get3A = arith.constant 0 : index
    %get3A_0 = arith.constant 0 : index
    %get3A_1 = vector.load %arg0[%get3A, %get3A_0] : memref<20480x16xf32, #tpu.memory_space<vmem>>, vector<20480x16xf32>
    %slice3A = vector.extract_strided_slice %get3A_1 {offsets = [0, 0], sizes = [10240, 1], strides = [1, 1]} : vector<20480x16xf32> to vector<10240x1xf32>
    %slice3A_2 = vector.extract_strided_slice %get3A_1 {offsets = [10240, 0], sizes = [10240, 1], strides = [1, 1]} : vector<20480x16xf32> to vector<10240x1xf32>
    %add3A = arith.addf %slice3A, %slice3A_2 : vector<10240x1xf32>
    %add3A_3 = arith.constant 1.000000e+00 : f32
    %add3A_4 = vector.broadcast %add3A_3 : f32 to vector<10240x1xf32>
    %add3A_5 = arith.addf %add3A, %add3A_4 : vector<10240x1xf32>
    %iota3A = tpu.iota {dimensions = array<i32: 0>} : vector<10240x1xi32>
    %lt3A = arith.constant 10000 : i32
    %lt3A_6 = vector.broadcast %lt3A : i32 to vector<10240x1xi32>
    %lt3A_7 = arith.cmpi slt, %iota3A, %lt3A_6 : vector<10240x1xi32>
    %rsqrt3A = math.rsqrt %add3A_5 : vector<10240x1xf32>
    %jit3A = arith.constant 0.000000e+00 : f32
    %broadcast_in_dim3A = vector.broadcast %jit3A : f32 to vector<10240x1xf32>
    %select_n3A = arith.select %lt3A_7, %rsqrt3A, %broadcast_in_dim3A : vector<10240x1xi1>, vector<10240x1xf32>
    %get3A_8 = arith.constant 0 : index
    %get3A_9 = arith.constant 0 : index
    %get3A_10 = vector.load %arg1[%get3A_8, %get3A_9] : memref<20480x64xf32, #tpu.memory_space<vmem>>, vector<10240x64xf32>
    %get3A_11 = arith.constant 10240 : index
    %get3A_12 = arith.constant 0 : index
    %get3A_13 = vector.load %arg1[%get3A_11, %get3A_12] : memref<20480x64xf32, #tpu.memory_space<vmem>>, vector<10240x64xf32>
    %add3A_14 = arith.addf %get3A_10, %get3A_13 : vector<10240x64xf32>
    %get3A_15 = arith.constant 0 : index
    %get3A_16 = arith.constant 0 : index
    %get3A_17 = vector.load %arg2[%get3A_15, %get3A_16] : memref<10240x64xf32, #tpu.memory_space<vmem>>, vector<10240x64xf32>
    %add3A_18 = arith.addf %add3A_14, %get3A_17 : vector<10240x64xf32>
    %mul3A = vector.broadcast %select_n3A : vector<10240x1xf32> to vector<10240x64xf32>
    %mul3A_19 = arith.mulf %add3A_18, %mul3A : vector<10240x64xf32>
    %get3A_20 = arith.constant 0 : index
    %get3A_21 = arith.constant 0 : index
    %get3A_22 = vector.load %arg3[%get3A_20, %get3A_21] : memref<1x64xf32, #tpu.memory_space<vmem>>, vector<1x64xf32>
    %add3A_23 = vector.broadcast %get3A_22 : vector<1x64xf32> to vector<10240x64xf32>
    %add3A_24 = arith.addf %mul3A_19, %add3A_23 : vector<10240x64xf32>
    %get3A_25 = arith.constant 0 : index
    %get3A_26 = arith.constant 0 : index
    %get3A_27 = vector.load %arg4[%get3A_25, %get3A_26] : memref<1x64xf32, #tpu.memory_space<vmem>>, vector<1x64xf32>
    %get3A_28 = arith.constant 0 : index
    %get3A_29 = arith.constant 0 : index
    %get3A_30 = vector.load %arg5[%get3A_28, %get3A_29] : memref<1x64xf32, #tpu.memory_space<vmem>>, vector<1x64xf32>
    %lt3A_31 = arith.constant 10000 : i32
    %lt3A_32 = vector.broadcast %lt3A_31 : i32 to vector<10240x1xi32>
    %lt3A_33 = arith.cmpi slt, %iota3A, %lt3A_32 : vector<10240x1xi32>
    %jit3A_34 = arith.constant 0.000000e+00 : f32
    %broadcast_in_dim3A_35 = vector.shape_cast %lt3A_33 : vector<10240x1xi1> to vector<10240x1xi1>
    %broadcast_in_dim3A_36 = vector.broadcast %broadcast_in_dim3A_35 : vector<10240x1xi1> to vector<10240x64xi1>
    %broadcast_in_dim3A_37 = vector.broadcast %jit3A_34 : f32 to vector<10240x64xf32>
    %select_n3A_38 = arith.select %broadcast_in_dim3A_36, %add3A_24, %broadcast_in_dim3A_37 : vector<10240x64xi1>, vector<10240x64xf32>
    %reduce_sum3A = arith.constant dense<0.000000e+00> : vector<64xf32>
    %reduce_sum3A_39 = vector.multi_reduction <add>, %select_n3A_38, %reduce_sum3A [0] : vector<10240x64xf32> to vector<64xf32>
    %broadcast_in_dim3A_40 = vector.shape_cast %reduce_sum3A_39 : vector<64xf32> to vector<1x64xf32>
    %mul3A_41 = arith.constant 9.99999974E-5 : f32
    %mul3A_42 = vector.broadcast %mul3A_41 : f32 to vector<1x64xf32>
    %mul3A_43 = arith.mulf %broadcast_in_dim3A_40, %mul3A_42 : vector<1x64xf32>
    %lt3A_44 = arith.constant 10000 : i32
    %lt3A_45 = vector.broadcast %lt3A_44 : i32 to vector<10240x1xi32>
    %lt3A_46 = arith.cmpi slt, %iota3A, %lt3A_45 : vector<10240x1xi32>
    %sub3A = vector.broadcast %mul3A_43 : vector<1x64xf32> to vector<10240x64xf32>
    %sub3A_47 = arith.subf %select_n3A_38, %sub3A : vector<10240x64xf32>
    %jit3A_48 = arith.constant 0.000000e+00 : f32
    %broadcast_in_dim3A_49 = vector.shape_cast %lt3A_46 : vector<10240x1xi1> to vector<10240x1xi1>
    %broadcast_in_dim3A_50 = vector.broadcast %broadcast_in_dim3A_49 : vector<10240x1xi1> to vector<10240x64xi1>
    %broadcast_in_dim3A_51 = vector.broadcast %jit3A_48 : f32 to vector<10240x64xf32>
    %select_n3A_52 = arith.select %broadcast_in_dim3A_50, %sub3A_47, %broadcast_in_dim3A_51 : vector<10240x64xi1>, vector<10240x64xf32>
    %mul3A_53 = arith.mulf %select_n3A_52, %select_n3A_52 : vector<10240x64xf32>
    %reduce_sum3A_54 = arith.constant dense<0.000000e+00> : vector<64xf32>
    %reduce_sum3A_55 = vector.multi_reduction <add>, %mul3A_53, %reduce_sum3A_54 [0] : vector<10240x64xf32> to vector<64xf32>
    %broadcast_in_dim3A_56 = vector.shape_cast %reduce_sum3A_55 : vector<64xf32> to vector<1x64xf32>
    %mul3A_57 = arith.constant 9.99999974E-5 : f32
    %mul3A_58 = vector.broadcast %mul3A_57 : f32 to vector<1x64xf32>
    %mul3A_59 = arith.mulf %broadcast_in_dim3A_56, %mul3A_58 : vector<1x64xf32>
    %add3A_60 = arith.constant 9.99999974E-6 : f32
    %add3A_61 = vector.broadcast %add3A_60 : f32 to vector<1x64xf32>
    %add3A_62 = arith.addf %mul3A_59, %add3A_61 : vector<1x64xf32>
    %rsqrt3A_63 = math.rsqrt %add3A_62 : vector<1x64xf32>
    %mul3A_64 = vector.broadcast %rsqrt3A_63 : vector<1x64xf32> to vector<10240x64xf32>
    %mul3A_65 = arith.mulf %select_n3A_52, %mul3A_64 : vector<10240x64xf32>
    %mul3A_66 = vector.broadcast %get3A_27 : vector<1x64xf32> to vector<10240x64xf32>
    %mul3A_67 = arith.mulf %mul3A_65, %mul3A_66 : vector<10240x64xf32>
    %add3A_68 = vector.broadcast %get3A_30 : vector<1x64xf32> to vector<10240x64xf32>
    %add3A_69 = arith.addf %mul3A_67, %add3A_68 : vector<10240x64xf32>
    %lt3A_70 = arith.constant 10000 : i32
    %lt3A_71 = vector.broadcast %lt3A_70 : i32 to vector<10240x1xi32>
    %lt3A_72 = arith.cmpi slt, %iota3A, %lt3A_71 : vector<10240x1xi32>
    %max3A = arith.constant 0.000000e+00 : f32
    %max3A_73 = vector.broadcast %max3A : f32 to vector<10240x64xf32>
    %max3A_74 = arith.maximumf %add3A_69, %max3A_73 : vector<10240x64xf32>
    %jit3A_75 = arith.constant 0.000000e+00 : f32
    %broadcast_in_dim3A_76 = vector.shape_cast %lt3A_72 : vector<10240x1xi1> to vector<10240x1xi1>
    %broadcast_in_dim3A_77 = vector.broadcast %broadcast_in_dim3A_76 : vector<10240x1xi1> to vector<10240x64xi1>
    %broadcast_in_dim3A_78 = vector.broadcast %jit3A_75 : f32 to vector<10240x64xf32>
    %select_n3A_79 = arith.select %broadcast_in_dim3A_77, %max3A_74, %broadcast_in_dim3A_78 : vector<10240x64xi1>, vector<10240x64xf32>
    %slice3A_80 = vector.extract_strided_slice %select_n3A_79 {offsets = [0, 0], sizes = [10000, 64], strides = [1, 1]} : vector<10240x64xf32> to vector<10000x64xf32>
    %swap3A = arith.constant 0 : index
    %swap3A_81 = arith.constant 0 : index
    %swap3A_82 = vector.load %arg6[%swap3A, %swap3A_81] : memref<10000x64xf32, #tpu.memory_space<vmem>>, vector<10000x64xf32>
    tpu.vector_store %arg6[%swap3A, %swap3A_81], %slice3A_80 {strides = array<i32>} : memref<10000x64xf32, #tpu.memory_space<vmem>>, vector<10000x64xf32>,
    return
  }
}

</mosaic_0001>

<sc_bundles>
// kernel: kernel.11.cloned.1.call-start
scs
__scs_entry_jumppad:
0x0: {  	(pc) =	sbr.rel $0x88, $3  }
0x1: {  	(tag) =	ssettag $0x0;
	lr =	simm.s32 $0x1  }
0x2: {  	[smem:$0x3F97] =	sst lr;
	_ =	strace $0xD0000000  }
0x3: {  	_ = 	snop  }
0x4: {  	_ = 	snop  }
0x5: {  	_ = 	snop  }
0x6: {  	_ = 	snop  }
0x7: {  	_ = 	snop  }
__scs_overlays_trampoline_lowered:
0x8: {  	[smem:$0x3FA6] =	sst s0  }
0x9: {  	[smem:$0x3FA7] =	sst s1  }
0xa: {  	[smem:$0x3FA8] =	sst s2  }
0xb: {  	[smem:$0x3FA9] =	sst s3  }
0xc: {  	[smem:$0x3FAA] =	sst s4  }
0xd: {  	[smem:$0x3FAB] =	sst s5  }
0xe: {  	[smem:$0x3FAC] =	sst s6  }
0xf: {  	[smem:$0x3FAD] =	sst s7  }
0x10: {  	[smem:$0x3FAE] =	sst s8  }
0x11: {  	[smem:$0x3FAF] =	sst s9;
	s0 =	simm.s32 @!p0 $0x0  }
0x12: {  	s1 =	sld [smem:$0x3F95];
	s0 =	simm.s32 @p0 $0x1  }
0x13: {  	[smem:$0x3FB0] =	sst s0;
	s0 =	simm.s32 @!p1 $0x0  }
0x14: {  	s2 =	sld [smem:$0x3F94];
	s0 =	simm.s32 @p1 $0x1  }
0x15: {  	[smem:$0x3FB1] =	sst s0;
	s0 =	simm.s32 @!p2 $0x0  }
0x16: {  	s3 =	sld [smem:$0x3FDB];
	s0 =	simm.s32 @p2 $0x1  }
0x17: {  	s4 =	simm.s32 $0x1BF5;
	[smem:$0x3FB3] =	sst s0  }
0x18: {  	s0 =	sld [smem:$0x3F96];
	_ =	swait.ge [sflag:s4], $0x0  }
0x19: {  	s7 =	sld [smem:$0x3F97]  }
0x1a: {  	s8 =	sadd.s32 $0xFFFFE003, lr  }
0x1b: {  	s9 =	sadd.s32 $0xFFFFFEF7, lr;
	s5 =	simm.s32 $0xFFFFFFFF;
	p2 =	slt.u32 s8, $0xFFFFF086  }
0x1c: {  	p1 =	slt.u32 s9, $0xF7A;
	s5 =	simm.s32 @!p2 $0x0  }
0x1d: {  	s5 =	simm.s32 @p1 $0x1;
	p0 =	seq.s32 s7, s2  }
0x1e: {  	s7 =	smul.u32 @!p0 $0xF7A, s2;
	p2 =	seq.s32 @!p0 s5, $0x0  }
0x1f: {  	s9 =	smul.u32 $0xF7A, s1;
	s8 =	simm.s32 @!p0 $0x1BF5;
	p2 =	por !p2, p0  }
0x20: {  	[sflag:s8] =	ssyncset.s32 @!p0 $0xFFFFF086;
	s6 =	sadd.s32 @!p0 s3, s7;
	s7 =	simm.s32 @!p0 $0x108  }
0x21: {  	s3 =	sadd.s32 s3, s9;
	s6 =	sadd.s32 @!p0 $0x88, s6;
	s7 =	simm.s32 @p2 $0x1082  }
0x22: {  	[simem:s7], [sflag:s8] =	dma.local @!p0 [hbm:s6], $0xF7A  }
0x23: {  	s9 =	sor.u32 $0xD0000000, s2;
	s6 =	simm.s32 $0x108;
	_ =	swait.ge @!p0 [sflag:s8], $0x0  }
0x24: {  	s3 =	sadd.s32 $0x88, s3;
	s6 =	simm.s32 @!p1 $0x1082;
	[sflag:s4] =	ssyncset.s32 $0xFFFFF086  }
0x25: {  	[simem:s6], [sflag:s4] =	dma.local [hbm:s3], $0xF7A  }
0x26: {  	[smem:$0x3F97] =	sst s1;
	(tag) =	ssettag s2;
	_ =	strace s9  }
0x27: {  	s1 =	sld [smem:$0x3FA7]  }
0x28: {  	s2 =	sld [smem:$0x3FA8]  }
0x29: {  	s4 =	sld [smem:$0x3FAA]  }
0x2a: {  	p0 =	seq.s32 s5, $0x0;
	s5 =	sld [smem:$0x3FAB]  }
0x2b: {  	s6 =	sld [smem:$0x3FAC]  }
0x2c: {  	s7 =	sld [smem:$0x3FAD]  }
0x2d: {  	s3 =	simm.s32 $0x108;
	s8 =	sld [smem:$0x3FAE]  }
0x2e: {  	s3 =	simm.s32 @!p0 $0x1082;
	s9 =	sld [smem:$0x3FAF]  }
0x2f: {  	lr =	sadd.s32 s0, s3;
	s0 =	sld [smem:$0x3FA6]  }
0x30: {  	s3 =	sld [smem:$0x3FA9]  }
0x31: {  	[smem:$0x3FB2] =	sst s10  }
0x32: {  	s10 =	sld [smem:$0x3FB0];
	_ =	sdelay $0x3  }
0x33: {  	p0 =	seq.s32 s10, $0x1;
	s10 =	sld [smem:$0x3FB2];
	_ =	sdelay $0x3  }
0x34: {  	[smem:$0x3FB2] =	sst s10  }
0x35: {  	s10 =	sld [smem:$0x3FB1];
	_ =	sdelay $0x3  }
0x36: {  	p1 =	seq.s32 s10, $0x1;
	s10 =	sld [smem:$0x3FB2];
	_ =	sdelay $0x3  }
0x37: {  	[smem:$0x3FB2] =	sst s10  }
0x38: {  	s10 =	sld [smem:$0x3FB3]  }
0x39: {  	_ = 	snop;
	(pc) =	sbr.ind lr, $3  }
0x3a: {  	_ = 	snop  }
0x3b: {  	_ = 	snop  }
0x3c: {  	p2 =	seq.s32 s10, $0x1;
	s10 =	sld [smem:$0x3FB2]  }
0x3d: {  	_ =	shalt  }
0x3e: {  	_ =	shalt  }
0x3f: {  	_ =	shalt  }
0x40: {  	_ =	shalt  }
0x41: {  	_ =	shalt  }
0x42: {  	_ =	shalt  }
0x43: {  	_ =	shalt  }
0x44: {  	_ =	shalt  }
0x45: {  	_ =	shalt  }
0x46: {  	_ =	shalt  }
0x47: {  	_ =	shalt  }
0x48: {  	_ =	shalt  }
0x49: {  	_ =	shalt  }
0x4a: {  	_ =	shalt  }
0x4b: {  	_ =	shalt  }
0x4c: {  	_ =	shalt  }
0x4d: {  	_ =	shalt  }
0x4e: {  	_ =	shalt  }
0x4f: {  	_ =	shalt  }
0x50: {  	_ =	shalt  }
0x51: {  	_ =	shalt  }
0x52: {  	_ =	shalt  }
0x53: {  	_ =	shalt  }
0x54: {  	_ =	shalt  }
0x55: {  	_ =	shalt  }
0x56: {  	_ =	shalt  }
0x57: {  	_ =	shalt  }
0x58: {  	_ =	shalt  }
0x59: {  	_ =	shalt  }
0x5a: {  	_ =	shalt  }
0x5b: {  	_ =	shalt  }
0x5c: {  	_ =	shalt  }
0x5d: {  	_ =	shalt  }
0x5e: {  	_ =	shalt  }
0x5f: {  	_ =	shalt  }
0x60: {  	_ =	shalt  }
0x61: {  	_ =	shalt  }
0x62: {  	_ =	shalt  }
0x63: {  	_ =	shalt  }
0x64: {  	_ =	shalt  }
0x65: {  	_ =	shalt  }
0x66: {  	_ =	shalt  }
0x67: {  	_ =	shalt  }
0x68: {  	_ =	shalt  }
0x69: {  	_ =	shalt  }
0x6a: {  	_ =	shalt  }
0x6b: {  	_ =	shalt  }
0x6c: {  	_ =	shalt  }
0x6d: {  	_ =	shalt  }
0x6e: {  	_ =	shalt  }
0x6f: {  	_ =	shalt  }
0x70: {  	_ =	shalt  }
0x71: {  	_ =	shalt  }
0x72: {  	_ =	shalt  }
0x73: {  	_ =	shalt  }
0x74: {  	_ =	shalt  }
0x75: {  	_ =	shalt  }
0x76: {  	_ =	shalt  }
0x77: {  	_ =	shalt  }
0x78: {  	_ =	shalt  }
0x79: {  	_ =	shalt  }
0x7a: {  	_ =	shalt  }
0x7b: {  	_ =	shalt  }
0x7c: {  	_ =	shalt  }
0x7d: {  	_ =	shalt  }
0x7e: {  	_ =	shalt  }
0x7f: {  	_ =	shalt  }
0x80: {  	_ =	shalt  }
0x81: {  	_ =	shalt  }
0x82: {  	_ =	shalt  }
0x83: {  	_ =	shalt  }
0x84: {  	_ =	shalt  }
0x85: {  	_ =	shalt  }
0x86: {  	_ =	shalt  }
0x87: {  	_ =	shalt  }
.Lfunc_end0:
.L_simem_size_0:
called_computation.1_lowered:
.L_overlay_start_0:
0x88: {  	s2 =	sld [smem:$0x3FD9]  }
0x89: {  	s3 =	sld [smem:$0x3FFE];
	_ =	sdelay $0x1  }
0x8a: {  	s1 =	srdreg.scid  }
0x8b: {  	s0 =	sand.u32 $0x1, s1  }
0x8c: {  	s17 =	sshll.u32 s0, $0xA;
	s2 =	sadd.s32 s3, s2  }
0x8d: {  	s2 =	sadd.s32 s2, s17  }
0x8e: {  	[smem:$0x3FBE] =	sst s2  }
0x8f: {  	_ = 	snop  }
0x90: {  	s2 =	sld [smem:$0x3FD0];
	(tm) =	ssettm $0x1  }
0x91: {  	s18 =	sld [smem:$0x3FFB];
	_ =	sdelay $0x3  }
0x92: {  	_ =	strace s18  }
0x93: {  	s3 =	sld [smem:$0x3FFC];
	_ =	sdelay $0x3  }
0x94: {  	_ =	strace s3  }
0x95: {  	s3 =	sld [smem:$0x3FFD];
	_ =	sdelay $0x3  }
0x96: {  	_ =	strace s3  }
0x97: {  	_ =	strace $0x8FFFFFFF  }
0x98: {  	s19 =	sld [smem:$0x3FDB];
	_ =	sdelay $0x1  }
0x99: {  	s4 =	simm.s32 $_scs_section_size  }
0x9a: {  	s5 =	simm.s32 $_size__tile_overlayer_lowered;
	s6 =	simm.s32 $_tile_overlayer_lowered  }
0x9b: {  	s22 =	simm.s32 $0x1BFF;
	s21 =	sshll.u32 s6, $0x1;
	s3 =	sadd.s32 s4, s19  }
0x9c: {  	s7 =	simm.s32 $0x0;
	s20 =	sshll.u32 s5, $0x1;
	s5 =	sadd.s32 s21, s3  }
0x9d: {  	[timem:s7], [sflag:s22] =	dma.local [hbm:s5], s20  }
0x9e: {  	_ =	swait.ge [sflag:s22], s20  }
0x9f: {  	s4 =	ssub.s32 $0x0, s20;
	[sflag:s22] =	ssyncset.done $0x0  }
0xa0: {  	[sflag:s22] =	ssyncadd.s32 s4;
	_ =	sdelay $0x1  }
0xa1: {  	s23 =	simm.s32 $0x1B8B  }
0xa2: {  	_ =	swait.ge [sflag:s23], $0x1  }
0xa3: {  	[sflag:s23] =	ssyncset.done $0x0  }
0xa4: {  	s25 =	simm.s32 $0x1B8E;
	s24 =	sld [smem:$0x3FFE];
	[sflag:s23] =	ssyncadd.s32 $0xFFFFFFFF  }
0xa5: {  	s26 =	simm.s32 $execute0_lowered;
	[smem:$0x3FD2] =	sst s25  }
0xa6: {  	s5 =	sshll.u32 s26, $0x1;
	_ =	strace $0x80000049;
	[dreg:$0x1] =	wrdreg $0xFFFFFFFF  }
0xa7: {  	s28 =	simm.s32 $_size_execute0_lowered;
	s3 =	sadd.s32 s3, s5;
	[dreg:$0x0] =	wrdreg $0x0  }
0xa8: {  	s5 =	sshll.u32 s28, $0x1;
	[dreg:$0x2] =	wrdreg s3  }
0xa9: {  	[dreg:$0x3] =	wrdreg s5  }
0xaa: {  	[dreg:$0x4] =	wrdreg $0xC0  }
0xab: {  	_ =	task [dreg:s7], $0x5FFFF  }
0xac: {  	[dreg:$0x1] =	wrdreg $0xFFFFFFFF  }
0xad: {  	[dreg:$0x0] =	wrdreg $0x60  }
0xae: {  	[dreg:$0x2] =	wrdreg s24  }
0xaf: {  	[dreg:$0x3] =	wrdreg s2  }
0xb0: {  	[dreg:$0x4] =	wrdreg $0xAB000  }
0xb1: {  	[dreg:$0x5] =	wrdreg $0x9  }
0xb2: {  	_ =	task.clear_ibuf [dreg:s7], $0x6FFFF;
	_ =	strace $0x90000049  }
0xb3: {  	s29 =	simm.s32 $0x9;
	_ =	strace $0x8000004B  }
0xb4: {  	_ =	swait.ge [sflag:s29], $0x1  }
0xb5: {  	[sflag:s29] =	ssyncadd.s32 $0xFFFFFFFF  }
0xb6: {  	_ =	strace $0x9000004B  }
0xb7: {  	_ =	sfence  }
0xb8: {  	s30 =	sld [smem:$0x0];
	_ =	sdelay $0x2  }
0xb9: {  	s31 =	sshll.u32 s1, $0xD;
	s1 =	sshrl.u32 s1, $0x2  }
0xba: {  	s3 =	sand.u32 $0x4000, s31;
	s1 =	sadd.s32 s1, s30  }
0xbb: {  	s0 =	sor.u32 s3, s0;
	s1 =	sshll.u32 s1, $0x11  }
0xbc: {  	s0 =	sor.u32 s1, s0  }
0xbd: {  	s0 =	sadd.s32 $0x8F2B, s0  }
0xbe: {  	[sflag:s0] =	ssyncadd.remote.s32 $0x1  }
0xbf: {  	_ =	sfence.sel $0xFFFF  }
0xc0: {  	[dreg:$0x0] =	wrdreg $0xFFFFFFFF;
	(pc) =	sbr.abs _section_cstart, $3  }
0xc1: {  	[dreg:$0x1] =	wrdreg $0xFFFFFFFF  }
0xc2: {  	_ =	task.clear_ibuf [dreg:s7], $0x2FFFF;
	_ =	strace $0x9FFFFFFF  }
0xc3: {  	(tm) =	ssettm $0x7FFFFFFF  }
tec
execute0_lowered:
.L_overlay_start_1:
0x0: {  	(tag) =	ssettag $0x1  }
0x1: {  	s6 =	rddreg [dreg:$0x0]  }
0x2: {  	s9 =	rddreg [dreg:$0x1];
	s0 =	stileid.u32  }
0x3: {  	s1 =	srdreg.scid;
	s2 =	rddreg [dreg:$0x2]  }
0x4: {  	s16 =	simm.s32 $0x2B00;
	s17 =	simm.s32 $0x2A00;
	s18 =	simm.s32 $0x1  }
0x5: {  	s19 =	simm.s32 $0x3;
	s20 =	simm.s32 $0x2;
	s3 =	smul.u32 $0x4C, s0  }
0x6: {  	s21 =	simm.s32 $0x4;
	s22 =	simm.s32 $0x2A80;
	s4 =	smul.u32 $0x54, s0  }
0x7: {  	s23 =	simm.s32 $0x6B00;
	s5 =	sand.u32 $0x1, s1;
	s8 =	smul.u32 $0x2800, s0  }
0x8: {  	s1 =	rddreg [dreg:$0x3];
	s12 =	smul.u32 $0x50000, s0;
	s29 =	sshll.u32 s0, $0x6  }
0x9: {  	p0 =	seq.s32 s5, $0x0;
	s24 =	smul.u32 $0x28000, s5;
	s25 =	ssub.s32 $0x2, s5  }
0xa: {  	s5 =	sadd.s32 $0x2600, s6;
	s7 =	sadd.s32 $0x540, s3;
	s3 =	simm.s32 $0x0  }
0xb: {  	s26 =	sshrl.u32 s25, $0x1;
	s28 =	sshrl.u32 s12, $0x2;
	s7 =	smov.u32 @p0 s4  }
0xc: {  	[smem:$0x7FF] =	sst s3;
	s4 =	sadd.s32 $0x17000, s6;
	s14 =	ssub.s32 s25, s26  }
0xd: {  	s15 =	sadd.s32 s28, s2;
	s10 =	sshll.u32 s7, $0x4;
	_ =	strace $0x8000004A  }
0xe: {  	s7 =	sadd.s32 s8, s24;
	s24 =	simm.s32 $0x0;
	s11 =	sadd.s32 s10, s6  }
0xf: {  	s13 =	sadd.s32 s7, s6;
	s6 =	simm.s32 $0x54;
	s7 =	sor.u32 $0x1C05, s29  }
0x10: {  	s9 =	sadd.s32 s9, s10;
	s6 =	simm.s32 @!p0 $0x4C;
	s8 =	sadd.s32 $0xCE00, s11  }
0x11: {  	s10 =	sadd.s32 $0x3F000, s13;
	s11 =	smax.u32 s14, $0x1;
	s30 =	sshll.u32 s6, $0x9  }
0x12: {  	s12 =	sadd.s32 $0x20, s9;
	s13 =	sshrl.u32 s15, $0x3;
	s31 =	sadd.s32 $0xFFFFFC00, s30  }
0x13: {  	s14 =	simm.s32 $0x5;
	s15 =	simm.s32 $0x80;
	[dreg:$0x4] =	wrdreg s31  }
.LBB2_1:
0x14: {  	[spmem:s13], [sflag:s7] =	dma.local [hbm:s5], $0x2800  }
0x15: {  	_ =	swait.ge [sflag:s14], $0x2800  }
0x16: {  	[sflag:s14] =	ssyncset.done $0x0  }
0x17: {  	[sflag:s14] =	ssyncadd.s32 $0xFFFFD800  }
0x18: {  	[tilespmem:s3], [sflag:$0x5] =	stream.linear.gather [hbm4b:s8+s3], $0x2A00, $0x38;
	[tilespmem:$0x1EB00] =	vst v63  }
0x19: {  	_ =	swait.ge [sflag:s14], $0x2A00  }
0x1a: {  	[sflag:s14] =	ssyncset.done $0x0  }
0x1b: {  	[sflag:s14] =	ssyncadd.s32 $0xFFFFD600  }
0x1c: {  	[bflag:$0x0] =	sbarrier.arrive $0xFFFF  }
0x1d: {  	[tilespmem:s16], [sflag:$0x1] =	stream.indirect.gather [hbm4b:s4+s15], $0x80, s3, s15, $0xb8;
	[tilespmem:$0x1EB00] =	vst v63  }
0x1e: {  	s26 =	simm.s32 $0x2;
	s25 =	smov.u32 s12;
	s28 =	simm.s32 $0x0  }
0x1f: {  	[tilespmem:s17], [sflag:$0x3] =	stream.linear.gather [hbm4b:s9+s3], $0x80, $0x38;
	[tilespmem:$0x1EB00] =	vst v63  }
.LBB2_2:
0x20: {  	s29 =	sadd.s32 $0xFFFFFFFF, s26  }
0x21: {  	p0 =	sge.u32 s29, s6  }
0x22: {  	s29 =	sshra.s32 @!p0 s28, $0x2  }
0x23: {  	s30 =	simm.s32 @!p0 $0x80;
	s31 =	simm.s32 @!p0 $0x6B00;
	s29 =	sadd.s32 @!p0 $0x80, s29  }
0x24: {  	[tilespmem:s31], [sflag:$0x2] =	stream.indirect.gather @!p0 [hbm4b:s4+s30], $0x80, s29, s30, $0xb8;
	[tilespmem:$0x1EB00] =	vst v63  }
0x25: {  	s29 =	sadd.s32 @!p0 $0xFFFFFFF0, s25;
	s30 =	simm.s32 @!p0 $0x0;
	s31 =	simm.s32 @!p0 $0x2A80  }
0x26: {  	[tilespmem:s31], [sflag:$0x4] =	stream.linear.gather @!p0 [hbm4b:s29+s30], $0x80, $0x38;
	[tilespmem:$0x1EB00] =	vst v63  }
0x27: {  	_ =	swait.ge [sflag:s18], $0x4000  }
0x28: {  	[sflag:s18] =	ssyncset.done $0x0  }
0x29: {  	[sflag:s18] =	ssyncadd.s32 $0xFFFFC000  }
0x2a: {  	_ =	swait.ge [sflag:s19], $0x80  }
0x2b: {  	[sflag:s19] =	ssyncset.done $0x0  }
0x2c: {  	[sflag:s19] =	ssyncadd.s32 $0xFFFFFF80  }
0x2d: {  	[spmem:s2] =	stream.indirect.scatter.add.f32 [tilespmem:s16], [sflag:$0x5], $0x80, s17, s15, $0xb8;
	[tilespmem:$0x1EB00] =	vst v63  }
0x2e: {  	p0 =	sge.u32 s26, s6;
	_ =	swait.ge [sflag:s14], $0x4000  }
0x2f: {  	s29 =	sshra.s32 @!p0 s28, $0x2;
	s30 =	simm.s32 @!p0 $0x80;
	[sflag:s14] =	ssyncset.done $0x0  }
0x30: {  	s31 =	simm.s32 @!p0 $0x2B00;
	s29 =	sadd.s32 @!p0 $0x100, s29;
	[sflag:s14] =	ssyncadd.s32 $0xFFFFC000  }
0x31: {  	[tilespmem:s31], [sflag:$0x1] =	stream.indirect.gather @!p0 [hbm4b:s4+s30], $0x80, s29, s30, $0xb8;
	[tilespmem:$0x1EB00] =	vst v63  }
0x32: {  	s29 =	simm.s32 @!p0 $0x0;
	s30 =	simm.s32 @!p0 $0x2A00  }
0x33: {  	[tilespmem:s30], [sflag:$0x3] =	stream.linear.gather @!p0 [hbm4b:s25+s29], $0x80, $0x38;
	[tilespmem:$0x1EB00] =	vst v63  }
0x34: {  	_ =	swait.ge [sflag:s20], $0x4000  }
0x35: {  	[sflag:s20] =	ssyncset.done $0x0  }
0x36: {  	[sflag:s20] =	ssyncadd.s32 $0xFFFFC000  }
0x37: {  	_ =	swait.ge [sflag:s21], $0x80  }
0x38: {  	[sflag:s21] =	ssyncset.done $0x0  }
0x39: {  	[sflag:s21] =	ssyncadd.s32 $0xFFFFFF80  }
0x3a: {  	[spmem:s2] =	stream.indirect.scatter.add.f32 [tilespmem:s23], [sflag:$0x5], $0x80, s22, s15, $0xb8;
	[tilespmem:$0x1EB00] =	vst v63  }
0x3b: {  	_ =	swait.ge [sflag:s14], $0x4000  }
0x3c: {  	s28 =	sadd.s32 $0x400, s28;
	s31 =	rddreg [dreg:$0x4]  }
0x3d: {  	p0 =	sne.s32 s31, s28  }
.Ltmp0:
0x3e: {  	_ = 	snop;
	(pc) =	sbr.rel @p0 .LBB2_2-.Ltmp0, $3  }
0x3f: {  	_ =	sdelay $0x1  }
0x40: {  	[sflag:s14] =	ssyncset.done $0x0  }
0x41: {  	s26 =	sadd.s32 $0x2, s26;
	s25 =	sadd.s32 $0x20, s25;
	[sflag:s14] =	ssyncadd.s32 $0xFFFFC000  }
0x42: {  	s29 =	sadd.s32 $0xFFFFFFFF, s26  }
0x43: {  	p0 =	sge.u32 s29, s6  }
0x44: {  	s29 =	sshra.s32 @!p0 s28, $0x2  }
0x45: {  	s30 =	simm.s32 @!p0 $0x80;
	s31 =	simm.s32 @!p0 $0x6B00;
	s29 =	sadd.s32 @!p0 $0x80, s29  }
0x46: {  	[tilespmem:s31], [sflag:$0x2] =	stream.indirect.gather @!p0 [hbm4b:s4+s30], $0x80, s29, s30, $0xb8;
	[tilespmem:$0x1EB00] =	vst v63  }
0x47: {  	s29 =	sadd.s32 @!p0 $0xFFFFFFF0, s25;
	s30 =	simm.s32 @!p0 $0x0;
	s31 =	simm.s32 @!p0 $0x2A80  }
0x48: {  	[tilespmem:s31], [sflag:$0x4] =	stream.linear.gather @!p0 [hbm4b:s29+s30], $0x80, $0x38;
	[tilespmem:$0x1EB00] =	vst v63  }
0x49: {  	_ =	swait.ge [sflag:s18], $0x4000  }
0x4a: {  	[sflag:s18] =	ssyncset.done $0x0  }
0x4b: {  	[sflag:s18] =	ssyncadd.s32 $0xFFFFC000  }
0x4c: {  	_ =	swait.ge [sflag:s19], $0x80  }
0x4d: {  	[sflag:s19] =	ssyncset.done $0x0  }
0x4e: {  	[sflag:s19] =	ssyncadd.s32 $0xFFFFFF80  }
0x4f: {  	[spmem:s2] =	stream.indirect.scatter.add.f32 [tilespmem:s16], [sflag:$0x5], $0x80, s17, s15, $0xb8;
	[tilespmem:$0x1EB00] =	vst v63  }
0x50: {  	p0 =	sge.u32 s26, s6;
	_ =	swait.ge [sflag:s14], $0x4000  }
0x51: {  	s26 =	sshra.s32 @!p0 s28, $0x2;
	s28 =	simm.s32 @!p0 $0x80;
	[sflag:s14] =	ssyncset.done $0x0  }
0x52: {  	s29 =	simm.s32 @!p0 $0x2B00;
	s26 =	sadd.s32 @!p0 $0x100, s26;
	[sflag:s14] =	ssyncadd.s32 $0xFFFFC000  }
0x53: {  	[tilespmem:s29], [sflag:$0x1] =	stream.indirect.gather @!p0 [hbm4b:s4+s28], $0x80, s26, s28, $0xb8;
	[tilespmem:$0x1EB00] =	vst v63  }
0x54: {  	s26 =	simm.s32 @!p0 $0x0;
	s28 =	simm.s32 @!p0 $0x2A00  }
0x55: {  	[tilespmem:s28], [sflag:$0x3] =	stream.linear.gather @!p0 [hbm4b:s25+s26], $0x80, $0x38;
	[tilespmem:$0x1EB00] =	vst v63  }
0x56: {  	_ =	swait.ge [sflag:s20], $0x4000  }
0x57: {  	[sflag:s20] =	ssyncset.done $0x0  }
0x58: {  	[sflag:s20] =	ssyncadd.s32 $0xFFFFC000  }
0x59: {  	_ =	swait.ge [sflag:s21], $0x80  }
0x5a: {  	[sflag:s21] =	ssyncset.done $0x0  }
0x5b: {  	[sflag:s21] =	ssyncadd.s32 $0xFFFFFF80  }
0x5c: {  	[spmem:s2] =	stream.indirect.scatter.add.f32 [tilespmem:s23], [sflag:$0x5], $0x80, s22, s15, $0xb8;
	[tilespmem:$0x1EB00] =	vst v63  }
0x5d: {  	_ =	swait.ge [sflag:s14], $0x4000  }
0x5e: {  	s24 =	sadd.s32 $0x1, s24;
	[sflag:s14] =	ssyncset.done $0x0  }
0x5f: {  	p0 =	sne.s32 s24, s11;
	[sflag:s14] =	ssyncadd.s32 $0xFFFFC000  }
.Ltmp1:
0x60: {  	[bflag:$0x0] =	sbarrier.arrive $0xFFFF;
	(pc) =	sbr.rel @p0 .LBB2_1-.Ltmp1, $4  }
0x61: {  	[hbm:s10], [sflag:s7] =	dma.local [spmem:s13], $0x2800  }
0x62: {  	_ =	swait.ge [sflag:s14], $0x2800  }
0x63: {  	[sflag:s14] =	ssyncset.done $0x0  }
0x64: {  	[sflag:s14] =	ssyncadd.s32 $0xFFFFD800  }
0x65: {  	_ =	sfence.sel $0x180000  }
0x66: {  	[bflag:$0x0] =	sbarrier.arrive $0xFFFF  }
0x67: {  	p0 =	sne.s32 s0, $0x0;
	_ =	strace $0x9000004A  }
0x68: {  	s0 =	sadd.s32 @!p0 $0x100000, s1;
	[bflag:$0x2] =	sbarrier.arrive $0xFFFF  }
0x69: {  	[sflag:s0] =	ssyncadd.tile.s32 @!p0 $0x1;
	_ =	shalt  }
.Lfunc_end2:
_tile_overlayer_lowered:
.L_overlay_start_2:
0x6a: {  	(tag) =	ssettag $0x2  }
0x6b: {  	s0 =	rddreg [dreg:$0x0];
	s2 =	stileid.u32  }
0x6c: {  	s1 =	rddreg [dreg:$0x1];
	p0 =	sne.s32 s2, $0x0  }
0x6d: {  	s3 =	rddreg [dreg:$0x2];
	[bflag:$0x3] =	sbarrier.arrive $0xFFFF;
	s2 =	simm.s32 @!p0 $0x1C05  }
0x6e: {  	[timem:s3], [sflag:s2] =	dma.local @!p0 [hbm:s0], s1  }
0x6f: {  	s0 =	simm.s32 @!p0 $0x5  }
0x70: {  	_ =	swait.ge @!p0 [sflag:s0], s1  }
0x71: {  	s1 =	ssub.s32 @!p0 $0x0, s1;
	[sflag:s0] =	ssyncset.done @!p0 $0x0  }
0x72: {  	[sflag:s0] =	ssyncadd.s32 @!p0 s1  }
0x73: {  	[bflag:$0x3] =	sbarrier.arrive $0xFFFF  }
0x74: {  	_ =	shalt  }

// kernel: kernel.14.cloned.1.call-start
scs
__scs_entry_jumppad:
0x0: {  	(pc) =	sbr.rel $0x88, $3  }
0x1: {  	(tag) =	ssettag $0x0;
	lr =	simm.s32 $0x1  }
0x2: {  	[smem:$0x3F97] =	sst lr;
	_ =	strace $0xD0000000  }
0x3: {  	_ = 	snop  }
0x4: {  	_ = 	snop  }
0x5: {  	_ = 	snop  }
0x6: {  	_ = 	snop  }
0x7: {  	_ = 	snop  }
__scs_overlays_trampoline_lowered:
0x8: {  	[smem:$0x3FA6] =	sst s0  }
0x9: {  	[smem:$0x3FA7] =	sst s1  }
0xa: {  	[smem:$0x3FA8] =	sst s2  }
0xb: {  	[smem:$0x3FA9] =	sst s3  }
0xc: {  	[smem:$0x3FAA] =	sst s4  }
0xd: {  	[smem:$0x3FAB] =	sst s5  }
0xe: {  	[smem:$0x3FAC] =	sst s6  }
0xf: {  	[smem:$0x3FAD] =	sst s7  }
0x10: {  	[smem:$0x3FAE] =	sst s8  }
0x11: {  	[smem:$0x3FAF] =	sst s9;
	s0 =	simm.s32 @!p0 $0x0  }
0x12: {  	s1 =	sld [smem:$0x3F95];
	s0 =	simm.s32 @p0 $0x1  }
0x13: {  	[smem:$0x3FB0] =	sst s0;
	s0 =	simm.s32 @!p1 $0x0  }
0x14: {  	s2 =	sld [smem:$0x3F94];
	s0 =	simm.s32 @p1 $0x1  }
0x15: {  	[smem:$0x3FB1] =	sst s0;
	s0 =	simm.s32 @!p2 $0x0  }
0x16: {  	s3 =	sld [smem:$0x3FDB];
	s0 =	simm.s32 @p2 $0x1  }
0x17: {  	s4 =	simm.s32 $0x1BF5;
	[smem:$0x3FB3] =	sst s0  }
0x18: {  	s0 =	sld [smem:$0x3F96];
	_ =	swait.ge [sflag:s4], $0x0  }
0x19: {  	s7 =	sld [smem:$0x3F97]  }
0x1a: {  	s8 =	sadd.s32 $0xFFFFE003, lr  }
0x1b: {  	s9 =	sadd.s32 $0xFFFFFEF7, lr;
	s5 =	simm.s32 $0xFFFFFFFF;
	p2 =	slt.u32 s8, $0xFFFFF086  }
0x1c: {  	p1 =	slt.u32 s9, $0xF7A;
	s5 =	simm.s32 @!p2 $0x0  }
0x1d: {  	s5 =	simm.s32 @p1 $0x1;
	p0 =	seq.s32 s7, s2  }
0x1e: {  	s7 =	smul.u32 @!p0 $0xF7A, s2;
	p2 =	seq.s32 @!p0 s5, $0x0  }
0x1f: {  	s9 =	smul.u32 $0xF7A, s1;
	s8 =	simm.s32 @!p0 $0x1BF5;
	p2 =	por !p2, p0  }
0x20: {  	[sflag:s8] =	ssyncset.s32 @!p0 $0xFFFFF086;
	s6 =	sadd.s32 @!p0 s3, s7;
	s7 =	simm.s32 @!p0 $0x108  }
0x21: {  	s3 =	sadd.s32 s3, s9;
	s6 =	sadd.s32 @!p0 $0x88, s6;
	s7 =	simm.s32 @p2 $0x1082  }
0x22: {  	[simem:s7], [sflag:s8] =	dma.local @!p0 [hbm:s6], $0xF7A  }
0x23: {  	s9 =	sor.u32 $0xD0000000, s2;
	s6 =	simm.s32 $0x108;
	_ =	swait.ge @!p0 [sflag:s8], $0x0  }
0x24: {  	s3 =	sadd.s32 $0x88, s3;
	s6 =	simm.s32 @!p1 $0x1082;
	[sflag:s4] =	ssyncset.s32 $0xFFFFF086  }
0x25: {  	[simem:s6], [sflag:s4] =	dma.local [hbm:s3], $0xF7A  }
0x26: {  	[smem:$0x3F97] =	sst s1;
	(tag) =	ssettag s2;
	_ =	strace s9  }
0x27: {  	s1 =	sld [smem:$0x3FA7]  }
0x28: {  	s2 =	sld [smem:$0x3FA8]  }
0x29: {  	s4 =	sld [smem:$0x3FAA]  }
0x2a: {  	p0 =	seq.s32 s5, $0x0;
	s5 =	sld [smem:$0x3FAB]  }
0x2b: {  	s6 =	sld [smem:$0x3FAC]  }
0x2c: {  	s7 =	sld [smem:$0x3FAD]  }
0x2d: {  	s3 =	simm.s32 $0x108;
	s8 =	sld [smem:$0x3FAE]  }
0x2e: {  	s3 =	simm.s32 @!p0 $0x1082;
	s9 =	sld [smem:$0x3FAF]  }
0x2f: {  	lr =	sadd.s32 s0, s3;
	s0 =	sld [smem:$0x3FA6]  }
0x30: {  	s3 =	sld [smem:$0x3FA9]  }
0x31: {  	[smem:$0x3FB2] =	sst s10  }
0x32: {  	s10 =	sld [smem:$0x3FB0];
	_ =	sdelay $0x3  }
0x33: {  	p0 =	seq.s32 s10, $0x1;
	s10 =	sld [smem:$0x3FB2];
	_ =	sdelay $0x3  }
0x34: {  	[smem:$0x3FB2] =	sst s10  }
0x35: {  	s10 =	sld [smem:$0x3FB1];
	_ =	sdelay $0x3  }
0x36: {  	p1 =	seq.s32 s10, $0x1;
	s10 =	sld [smem:$0x3FB2];
	_ =	sdelay $0x3  }
0x37: {  	[smem:$0x3FB2] =	sst s10  }
0x38: {  	s10 =	sld [smem:$0x3FB3]  }
0x39: {  	_ = 	snop;
	(pc) =	sbr.ind lr, $3  }
0x3a: {  	_ = 	snop  }
0x3b: {  	_ = 	snop  }
0x3c: {  	p2 =	seq.s32 s10, $0x1;
	s10 =	sld [smem:$0x3FB2]  }
0x3d: {  	_ =	shalt  }
0x3e: {  	_ =	shalt  }
0x3f: {  	_ =	shalt  }
0x40: {  	_ =	shalt  }
0x41: {  	_ =	shalt  }
0x42: {  	_ =	shalt  }
0x43: {  	_ =	shalt  }
0x44: {  	_ =	shalt  }
0x45: {  	_ =	shalt  }
0x46: {  	_ =	shalt  }
0x47: {  	_ =	shalt  }
0x48: {  	_ =	shalt  }
0x49: {  	_ =	shalt  }
0x4a: {  	_ =	shalt  }
0x4b: {  	_ =	shalt  }
0x4c: {  	_ =	shalt  }
0x4d: {  	_ =	shalt  }
0x4e: {  	_ =	shalt  }
0x4f: {  	_ =	shalt  }
0x50: {  	_ =	shalt  }
0x51: {  	_ =	shalt  }
0x52: {  	_ =	shalt  }
0x53: {  	_ =	shalt  }
0x54: {  	_ =	shalt  }
0x55: {  	_ =	shalt  }
0x56: {  	_ =	shalt  }
0x57: {  	_ =	shalt  }
0x58: {  	_ =	shalt  }
0x59: {  	_ =	shalt  }
0x5a: {  	_ =	shalt  }
0x5b: {  	_ =	shalt  }
0x5c: {  	_ =	shalt  }
0x5d: {  	_ =	shalt  }
0x5e: {  	_ =	shalt  }
0x5f: {  	_ =	shalt  }
0x60: {  	_ =	shalt  }
0x61: {  	_ =	shalt  }
0x62: {  	_ =	shalt  }
0x63: {  	_ =	shalt  }
0x64: {  	_ =	shalt  }
0x65: {  	_ =	shalt  }
0x66: {  	_ =	shalt  }
0x67: {  	_ =	shalt  }
0x68: {  	_ =	shalt  }
0x69: {  	_ =	shalt  }
0x6a: {  	_ =	shalt  }
0x6b: {  	_ =	shalt  }
0x6c: {  	_ =	shalt  }
0x6d: {  	_ =	shalt  }
0x6e: {  	_ =	shalt  }
0x6f: {  	_ =	shalt  }
0x70: {  	_ =	shalt  }
0x71: {  	_ =	shalt  }
0x72: {  	_ =	shalt  }
0x73: {  	_ =	shalt  }
0x74: {  	_ =	shalt  }
0x75: {  	_ =	shalt  }
0x76: {  	_ =	shalt  }
0x77: {  	_ =	shalt  }
0x78: {  	_ =	shalt  }
0x79: {  	_ =	shalt  }
0x7a: {  	_ =	shalt  }
0x7b: {  	_ =	shalt  }
0x7c: {  	_ =	shalt  }
0x7d: {  	_ =	shalt  }
0x7e: {  	_ =	shalt  }
0x7f: {  	_ =	shalt  }
0x80: {  	_ =	shalt  }
0x81: {  	_ =	shalt  }
0x82: {  	_ =	shalt  }
0x83: {  	_ =	shalt  }
0x84: {  	_ =	shalt  }
0x85: {  	_ =	shalt  }
0x86: {  	_ =	shalt  }
0x87: {  	_ =	shalt  }
.Lfunc_end0:
.L_simem_size_0:
called_computation.2_lowered:
.L_overlay_start_0:
0x88: {  	s2 =	sld [smem:$0x3FD9]  }
0x89: {  	s3 =	sld [smem:$0x3FFE];
	_ =	sdelay $0x1  }
0x8a: {  	s1 =	srdreg.scid  }
0x8b: {  	s0 =	sand.u32 $0x1, s1  }
0x8c: {  	s17 =	sshll.u32 s0, $0xA;
	s2 =	sadd.s32 s3, s2  }
0x8d: {  	s2 =	sadd.s32 s2, s17  }
0x8e: {  	[smem:$0x3FBE] =	sst s2  }
0x8f: {  	_ = 	snop  }
0x90: {  	s2 =	sld [smem:$0x3FD0];
	(tm) =	ssettm $0x1  }
0x91: {  	s18 =	sld [smem:$0x3FFB];
	_ =	sdelay $0x3  }
0x92: {  	_ =	strace s18  }
0x93: {  	s3 =	sld [smem:$0x3FFC];
	_ =	sdelay $0x3  }
0x94: {  	_ =	strace s3  }
0x95: {  	s3 =	sld [smem:$0x3FFD];
	_ =	sdelay $0x3  }
0x96: {  	_ =	strace s3  }
0x97: {  	_ =	strace $0x8FFFFFFF  }
0x98: {  	s19 =	sld [smem:$0x3FDB];
	_ =	sdelay $0x1  }
0x99: {  	s4 =	simm.s32 $_scs_section_size  }
0x9a: {  	s5 =	simm.s32 $_size__tile_overlayer_lowered;
	s6 =	simm.s32 $_tile_overlayer_lowered  }
0x9b: {  	s22 =	simm.s32 $0x1BFF;
	s21 =	sshll.u32 s6, $0x1;
	s3 =	sadd.s32 s4, s19  }
0x9c: {  	s7 =	simm.s32 $0x0;
	s20 =	sshll.u32 s5, $0x1;
	s5 =	sadd.s32 s21, s3  }
0x9d: {  	[timem:s7], [sflag:s22] =	dma.local [hbm:s5], s20  }
0x9e: {  	_ =	swait.ge [sflag:s22], s20  }
0x9f: {  	s4 =	ssub.s32 $0x0, s20;
	[sflag:s22] =	ssyncset.done $0x0  }
0xa0: {  	[sflag:s22] =	ssyncadd.s32 s4;
	_ =	sdelay $0x1  }
0xa1: {  	s23 =	simm.s32 $0x1B8B  }
0xa2: {  	_ =	swait.ge [sflag:s23], $0x1  }
0xa3: {  	[sflag:s23] =	ssyncset.done $0x0  }
0xa4: {  	s25 =	simm.s32 $0x1B8E;
	s24 =	sld [smem:$0x3FFE];
	[sflag:s23] =	ssyncadd.s32 $0xFFFFFFFF  }
0xa5: {  	s26 =	simm.s32 $execute0_lowered;
	[smem:$0x3FD2] =	sst s25  }
0xa6: {  	s5 =	sshll.u32 s26, $0x1;
	_ =	strace $0x8000004C;
	[dreg:$0x1] =	wrdreg $0xFFFFFFFF  }
0xa7: {  	s28 =	simm.s32 $_size_execute0_lowered;
	s3 =	sadd.s32 s3, s5;
	[dreg:$0x0] =	wrdreg $0x0  }
0xa8: {  	s5 =	sshll.u32 s28, $0x1;
	[dreg:$0x2] =	wrdreg s3  }
0xa9: {  	[dreg:$0x3] =	wrdreg s5  }
0xaa: {  	[dreg:$0x4] =	wrdreg $0xC0  }
0xab: {  	_ =	task [dreg:s7], $0x5FFFF  }
0xac: {  	[dreg:$0x1] =	wrdreg $0xFFFFFFFF  }
0xad: {  	[dreg:$0x0] =	wrdreg $0x60  }
0xae: {  	[dreg:$0x2] =	wrdreg s24  }
0xaf: {  	[dreg:$0x3] =	wrdreg s2  }
0xb0: {  	[dreg:$0x4] =	wrdreg $0x6B000  }
0xb1: {  	[dreg:$0x5] =	wrdreg $0x9  }
0xb2: {  	_ =	task.clear_ibuf [dreg:s7], $0x6FFFF;
	_ =	strace $0x9000004C  }
0xb3: {  	s29 =	simm.s32 $0x9;
	_ =	strace $0x8000004E  }
0xb4: {  	_ =	swait.ge [sflag:s29], $0x1  }
0xb5: {  	[sflag:s29] =	ssyncadd.s32 $0xFFFFFFFF  }
0xb6: {  	_ =	strace $0x9000004E  }
0xb7: {  	_ =	sfence  }
0xb8: {  	s30 =	sld [smem:$0x0];
	_ =	sdelay $0x2  }
0xb9: {  	s31 =	sshll.u32 s1, $0xD;
	s1 =	sshrl.u32 s1, $0x2  }
0xba: {  	s3 =	sand.u32 $0x4000, s31;
	s1 =	sadd.s32 s1, s30  }
0xbb: {  	s0 =	sor.u32 s3, s0;
	s1 =	sshll.u32 s1, $0x11  }
0xbc: {  	s0 =	sor.u32 s1, s0  }
0xbd: {  	s0 =	sadd.s32 $0x8F2B, s0  }
0xbe: {  	[sflag:s0] =	ssyncadd.remote.s32 $0x1  }
0xbf: {  	_ =	sfence.sel $0xFFFF  }
0xc0: {  	[dreg:$0x0] =	wrdreg $0xFFFFFFFF;
	(pc) =	sbr.abs _section_cstart, $3  }
0xc1: {  	[dreg:$0x1] =	wrdreg $0xFFFFFFFF  }
0xc2: {  	_ =	task.clear_ibuf [dreg:s7], $0x2FFFF;
	_ =	strace $0x9FFFFFFF  }
0xc3: {  	(tm) =	ssettm $0x7FFFFFFF  }
tec
execute0_lowered:
.L_overlay_start_1:
0x0: {  	(tag) =	ssettag $0x1  }
0x1: {  	s6 =	rddreg [dreg:$0x0]  }
0x2: {  	s9 =	rddreg [dreg:$0x1];
	s0 =	stileid.u32  }
0x3: {  	s1 =	srdreg.scid;
	s2 =	rddreg [dreg:$0x2]  }
0x4: {  	s16 =	simm.s32 $0x2B00;
	s17 =	simm.s32 $0x2A00;
	s18 =	simm.s32 $0x1  }
0x5: {  	s19 =	simm.s32 $0x3;
	s20 =	simm.s32 $0x2;
	s3 =	smul.u32 $0x4C, s0  }
0x6: {  	s21 =	simm.s32 $0x4;
	s22 =	simm.s32 $0x2A80;
	s4 =	smul.u32 $0x54, s0  }
0x7: {  	s23 =	simm.s32 $0x4B00;
	s5 =	sand.u32 $0x1, s1;
	s8 =	smul.u32 $0x1400, s0  }
0x8: {  	s1 =	rddreg [dreg:$0x3];
	s12 =	smul.u32 $0x28000, s0;
	s29 =	sshll.u32 s0, $0x6  }
0x9: {  	p0 =	seq.s32 s5, $0x0;
	s24 =	smul.u32 $0x14000, s5;
	s25 =	ssub.s32 $0x2, s5  }
0xa: {  	s5 =	sadd.s32 $0x2600, s6;
	s7 =	sadd.s32 $0x540, s3;
	s3 =	simm.s32 $0x0  }
0xb: {  	s26 =	sshrl.u32 s25, $0x1;
	s28 =	sshrl.u32 s12, $0x2;
	s7 =	smov.u32 @p0 s4  }
0xc: {  	[smem:$0x7FF] =	sst s3;
	s4 =	sadd.s32 $0x17000, s6;
	s14 =	ssub.s32 s25, s26  }
0xd: {  	s15 =	sadd.s32 s28, s2;
	s10 =	sshll.u32 s7, $0x4;
	_ =	strace $0x8000004D  }
0xe: {  	s7 =	sadd.s32 s8, s24;
	s24 =	simm.s32 $0x0;
	s11 =	sadd.s32 s10, s6  }
0xf: {  	s13 =	sadd.s32 s7, s6;
	s6 =	simm.s32 $0x54;
	s7 =	sor.u32 $0x1C05, s29  }
0x10: {  	s9 =	sadd.s32 s9, s10;
	s6 =	simm.s32 @!p0 $0x4C;
	s8 =	sadd.s32 $0xCE00, s11  }
0x11: {  	s10 =	sadd.s32 $0x2B000, s13;
	s11 =	smax.u32 s14, $0x1;
	s30 =	sshll.u32 s6, $0x9  }
0x12: {  	s12 =	sadd.s32 $0x20, s9;
	s13 =	sshrl.u32 s15, $0x3;
	s31 =	sadd.s32 $0xFFFFFC00, s30  }
0x13: {  	s14 =	simm.s32 $0x5;
	s15 =	simm.s32 $0x80;
	[dreg:$0x4] =	wrdreg s31  }
.LBB2_1:
0x14: {  	[spmem:s13], [sflag:s7] =	dma.local [hbm:s5], $0x1400  }
0x15: {  	_ =	swait.ge [sflag:s14], $0x1400  }
0x16: {  	[sflag:s14] =	ssyncset.done $0x0  }
0x17: {  	[sflag:s14] =	ssyncadd.s32 $0xFFFFEC00  }
0x18: {  	[tilespmem:s3], [sflag:$0x5] =	stream.linear.gather [hbm4b:s8+s3], $0x2A00, $0x38;
	[tilespmem:$0x10B00] =	vst v63  }
0x19: {  	_ =	swait.ge [sflag:s14], $0x2A00  }
0x1a: {  	[sflag:s14] =	ssyncset.done $0x0  }
0x1b: {  	[sflag:s14] =	ssyncadd.s32 $0xFFFFD600  }
0x1c: {  	[bflag:$0x0] =	sbarrier.arrive $0xFFFF  }
0x1d: {  	[tilespmem:s16], [sflag:$0x1] =	stream.indirect.gather [hbm4b:s4+s15], $0x40, s3, s15, $0xb8;
	[tilespmem:$0x10B00] =	vst v63  }
0x1e: {  	s26 =	simm.s32 $0x2;
	s25 =	smov.u32 s12;
	s28 =	simm.s32 $0x0  }
0x1f: {  	[tilespmem:s17], [sflag:$0x3] =	stream.linear.gather [hbm4b:s9+s3], $0x80, $0x38;
	[tilespmem:$0x10B00] =	vst v63  }
.LBB2_2:
0x20: {  	s29 =	sadd.s32 $0xFFFFFFFF, s26  }
0x21: {  	p0 =	sge.u32 s29, s6  }
0x22: {  	s29 =	sshra.s32 @!p0 s28, $0x2  }
0x23: {  	s30 =	simm.s32 @!p0 $0x80;
	s31 =	simm.s32 @!p0 $0x4B00;
	s29 =	sadd.s32 @!p0 $0x80, s29  }
0x24: {  	[tilespmem:s31], [sflag:$0x2] =	stream.indirect.gather @!p0 [hbm4b:s4+s30], $0x40, s29, s30, $0xb8;
	[tilespmem:$0x10B00] =	vst v63  }
0x25: {  	s29 =	sadd.s32 @!p0 $0xFFFFFFF0, s25;
	s30 =	simm.s32 @!p0 $0x0;
	s31 =	simm.s32 @!p0 $0x2A80  }
0x26: {  	[tilespmem:s31], [sflag:$0x4] =	stream.linear.gather @!p0 [hbm4b:s29+s30], $0x80, $0x38;
	[tilespmem:$0x10B00] =	vst v63  }
0x27: {  	_ =	swait.ge [sflag:s18], $0x2000  }
0x28: {  	[sflag:s18] =	ssyncset.done $0x0  }
0x29: {  	[sflag:s18] =	ssyncadd.s32 $0xFFFFE000  }
0x2a: {  	_ =	swait.ge [sflag:s19], $0x80  }
0x2b: {  	[sflag:s19] =	ssyncset.done $0x0  }
0x2c: {  	[sflag:s19] =	ssyncadd.s32 $0xFFFFFF80  }
0x2d: {  	[spmem:s2] =	stream.indirect.scatter.add.f32 [tilespmem:s16], [sflag:$0x5], $0x40, s17, s15, $0xb8;
	[tilespmem:$0x10B00] =	vst v63  }
0x2e: {  	p0 =	sge.u32 s26, s6;
	_ =	swait.ge [sflag:s14], $0x2000  }
0x2f: {  	s29 =	sshra.s32 @!p0 s28, $0x2;
	s30 =	simm.s32 @!p0 $0x80;
	[sflag:s14] =	ssyncset.done $0x0  }
0x30: {  	s31 =	simm.s32 @!p0 $0x2B00;
	s29 =	sadd.s32 @!p0 $0x100, s29;
	[sflag:s14] =	ssyncadd.s32 $0xFFFFE000  }
0x31: {  	[tilespmem:s31], [sflag:$0x1] =	stream.indirect.gather @!p0 [hbm4b:s4+s30], $0x40, s29, s30, $0xb8;
	[tilespmem:$0x10B00] =	vst v63  }
0x32: {  	s29 =	simm.s32 @!p0 $0x0;
	s30 =	simm.s32 @!p0 $0x2A00  }
0x33: {  	[tilespmem:s30], [sflag:$0x3] =	stream.linear.gather @!p0 [hbm4b:s25+s29], $0x80, $0x38;
	[tilespmem:$0x10B00] =	vst v63  }
0x34: {  	_ =	swait.ge [sflag:s20], $0x2000  }
0x35: {  	[sflag:s20] =	ssyncset.done $0x0  }
0x36: {  	[sflag:s20] =	ssyncadd.s32 $0xFFFFE000  }
0x37: {  	_ =	swait.ge [sflag:s21], $0x80  }
0x38: {  	[sflag:s21] =	ssyncset.done $0x0  }
0x39: {  	[sflag:s21] =	ssyncadd.s32 $0xFFFFFF80  }
0x3a: {  	[spmem:s2] =	stream.indirect.scatter.add.f32 [tilespmem:s23], [sflag:$0x5], $0x40, s22, s15, $0xb8;
	[tilespmem:$0x10B00] =	vst v63  }
0x3b: {  	_ =	swait.ge [sflag:s14], $0x2000  }
0x3c: {  	s28 =	sadd.s32 $0x400, s28;
	s31 =	rddreg [dreg:$0x4]  }
0x3d: {  	p0 =	sne.s32 s31, s28  }
.Ltmp0:
0x3e: {  	_ = 	snop;
	(pc) =	sbr.rel @p0 .LBB2_2-.Ltmp0, $3  }
0x3f: {  	_ =	sdelay $0x1  }
0x40: {  	[sflag:s14] =	ssyncset.done $0x0  }
0x41: {  	s26 =	sadd.s32 $0x2, s26;
	s25 =	sadd.s32 $0x20, s25;
	[sflag:s14] =	ssyncadd.s32 $0xFFFFE000  }
0x42: {  	s29 =	sadd.s32 $0xFFFFFFFF, s26  }
0x43: {  	p0 =	sge.u32 s29, s6  }
0x44: {  	s29 =	sshra.s32 @!p0 s28, $0x2  }
0x45: {  	s30 =	simm.s32 @!p0 $0x80;
	s31 =	simm.s32 @!p0 $0x4B00;
	s29 =	sadd.s32 @!p0 $0x80, s29  }
0x46: {  	[tilespmem:s31], [sflag:$0x2] =	stream.indirect.gather @!p0 [hbm4b:s4+s30], $0x40, s29, s30, $0xb8;
	[tilespmem:$0x10B00] =	vst v63  }
0x47: {  	s29 =	sadd.s32 @!p0 $0xFFFFFFF0, s25;
	s30 =	simm.s32 @!p0 $0x0;
	s31 =	simm.s32 @!p0 $0x2A80  }
0x48: {  	[tilespmem:s31], [sflag:$0x4] =	stream.linear.gather @!p0 [hbm4b:s29+s30], $0x80, $0x38;
	[tilespmem:$0x10B00] =	vst v63  }
0x49: {  	_ =	swait.ge [sflag:s18], $0x2000  }
0x4a: {  	[sflag:s18] =	ssyncset.done $0x0  }
0x4b: {  	[sflag:s18] =	ssyncadd.s32 $0xFFFFE000  }
0x4c: {  	_ =	swait.ge [sflag:s19], $0x80  }
0x4d: {  	[sflag:s19] =	ssyncset.done $0x0  }
0x4e: {  	[sflag:s19] =	ssyncadd.s32 $0xFFFFFF80  }
0x4f: {  	[spmem:s2] =	stream.indirect.scatter.add.f32 [tilespmem:s16], [sflag:$0x5], $0x40, s17, s15, $0xb8;
	[tilespmem:$0x10B00] =	vst v63  }
0x50: {  	p0 =	sge.u32 s26, s6;
	_ =	swait.ge [sflag:s14], $0x2000  }
0x51: {  	s26 =	sshra.s32 @!p0 s28, $0x2;
	s28 =	simm.s32 @!p0 $0x80;
	[sflag:s14] =	ssyncset.done $0x0  }
0x52: {  	s29 =	simm.s32 @!p0 $0x2B00;
	s26 =	sadd.s32 @!p0 $0x100, s26;
	[sflag:s14] =	ssyncadd.s32 $0xFFFFE000  }
0x53: {  	[tilespmem:s29], [sflag:$0x1] =	stream.indirect.gather @!p0 [hbm4b:s4+s28], $0x40, s26, s28, $0xb8;
	[tilespmem:$0x10B00] =	vst v63  }
0x54: {  	s26 =	simm.s32 @!p0 $0x0;
	s28 =	simm.s32 @!p0 $0x2A00  }
0x55: {  	[tilespmem:s28], [sflag:$0x3] =	stream.linear.gather @!p0 [hbm4b:s25+s26], $0x80, $0x38;
	[tilespmem:$0x10B00] =	vst v63  }
0x56: {  	_ =	swait.ge [sflag:s20], $0x2000  }
0x57: {  	[sflag:s20] =	ssyncset.done $0x0  }
0x58: {  	[sflag:s20] =	ssyncadd.s32 $0xFFFFE000  }
0x59: {  	_ =	swait.ge [sflag:s21], $0x80  }
0x5a: {  	[sflag:s21] =	ssyncset.done $0x0  }
0x5b: {  	[sflag:s21] =	ssyncadd.s32 $0xFFFFFF80  }
0x5c: {  	[spmem:s2] =	stream.indirect.scatter.add.f32 [tilespmem:s23], [sflag:$0x5], $0x40, s22, s15, $0xb8;
	[tilespmem:$0x10B00] =	vst v63  }
0x5d: {  	_ =	swait.ge [sflag:s14], $0x2000  }
0x5e: {  	s24 =	sadd.s32 $0x1, s24;
	[sflag:s14] =	ssyncset.done $0x0  }
0x5f: {  	p0 =	sne.s32 s24, s11;
	[sflag:s14] =	ssyncadd.s32 $0xFFFFE000  }
.Ltmp1:
0x60: {  	[bflag:$0x0] =	sbarrier.arrive $0xFFFF;
	(pc) =	sbr.rel @p0 .LBB2_1-.Ltmp1, $4  }
0x61: {  	[hbm:s10], [sflag:s7] =	dma.local [spmem:s13], $0x1400  }
0x62: {  	_ =	swait.ge [sflag:s14], $0x1400  }
0x63: {  	[sflag:s14] =	ssyncset.done $0x0  }
0x64: {  	[sflag:s14] =	ssyncadd.s32 $0xFFFFEC00  }
0x65: {  	_ =	sfence.sel $0x180000  }
0x66: {  	[bflag:$0x0] =	sbarrier.arrive $0xFFFF  }
0x67: {  	p0 =	sne.s32 s0, $0x0;
	_ =	strace $0x9000004D  }
0x68: {  	s0 =	sadd.s32 @!p0 $0x100000, s1;
	[bflag:$0x2] =	sbarrier.arrive $0xFFFF  }
0x69: {  	[sflag:s0] =	ssyncadd.tile.s32 @!p0 $0x1;
	_ =	shalt  }
.Lfunc_end2:
_tile_overlayer_lowered:
.L_overlay_start_2:
0x6a: {  	(tag) =	ssettag $0x2  }
0x6b: {  	s0 =	rddreg [dreg:$0x0];
	s2 =	stileid.u32  }
0x6c: {  	s1 =	rddreg [dreg:$0x1];
	p0 =	sne.s32 s2, $0x0  }
0x6d: {  	s3 =	rddreg [dreg:$0x2];
	[bflag:$0x3] =	sbarrier.arrive $0xFFFF;
	s2 =	simm.s32 @!p0 $0x1C05  }
0x6e: {  	[timem:s3], [sflag:s2] =	dma.local @!p0 [hbm:s0], s1  }
0x6f: {  	s0 =	simm.s32 @!p0 $0x5  }
0x70: {  	_ =	swait.ge @!p0 [sflag:s0], s1  }
0x71: {  	s1 =	ssub.s32 @!p0 $0x0, s1;
	[sflag:s0] =	ssyncset.done @!p0 $0x0  }
0x72: {  	[sflag:s0] =	ssyncadd.s32 @!p0 s1  }
0x73: {  	[bflag:$0x3] =	sbarrier.arrive $0xFFFF  }
0x74: {  	_ =	shalt  }

// kernel: kernel.8.cloned.1.call-start
scs
__scs_entry_jumppad:
0x0: {  	(pc) =	sbr.rel $0x88, $3  }
0x1: {  	(tag) =	ssettag $0x0;
	lr =	simm.s32 $0x1  }
0x2: {  	[smem:$0x3F97] =	sst lr;
	_ =	strace $0xD0000000  }
0x3: {  	_ = 	snop  }
0x4: {  	_ = 	snop  }
0x5: {  	_ = 	snop  }
0x6: {  	_ = 	snop  }
0x7: {  	_ = 	snop  }
__scs_overlays_trampoline_lowered:
0x8: {  	[smem:$0x3FA6] =	sst s0  }
0x9: {  	[smem:$0x3FA7] =	sst s1  }
0xa: {  	[smem:$0x3FA8] =	sst s2  }
0xb: {  	[smem:$0x3FA9] =	sst s3  }
0xc: {  	[smem:$0x3FAA] =	sst s4  }
0xd: {  	[smem:$0x3FAB] =	sst s5  }
0xe: {  	[smem:$0x3FAC] =	sst s6  }
0xf: {  	[smem:$0x3FAD] =	sst s7  }
0x10: {  	[smem:$0x3FAE] =	sst s8  }
0x11: {  	[smem:$0x3FAF] =	sst s9;
	s0 =	simm.s32 @!p0 $0x0  }
0x12: {  	s1 =	sld [smem:$0x3F95];
	s0 =	simm.s32 @p0 $0x1  }
0x13: {  	[smem:$0x3FB0] =	sst s0;
	s0 =	simm.s32 @!p1 $0x0  }
0x14: {  	s2 =	sld [smem:$0x3F94];
	s0 =	simm.s32 @p1 $0x1  }
0x15: {  	[smem:$0x3FB1] =	sst s0;
	s0 =	simm.s32 @!p2 $0x0  }
0x16: {  	s3 =	sld [smem:$0x3FDB];
	s0 =	simm.s32 @p2 $0x1  }
0x17: {  	s4 =	simm.s32 $0x1BF5;
	[smem:$0x3FB3] =	sst s0  }
0x18: {  	s0 =	sld [smem:$0x3F96];
	_ =	swait.ge [sflag:s4], $0x0  }
0x19: {  	s7 =	sld [smem:$0x3F97]  }
0x1a: {  	s8 =	sadd.s32 $0xFFFFE003, lr  }
0x1b: {  	s9 =	sadd.s32 $0xFFFFFEF7, lr;
	s5 =	simm.s32 $0xFFFFFFFF;
	p2 =	slt.u32 s8, $0xFFFFF086  }
0x1c: {  	p1 =	slt.u32 s9, $0xF7A;
	s5 =	simm.s32 @!p2 $0x0  }
0x1d: {  	s5 =	simm.s32 @p1 $0x1;
	p0 =	seq.s32 s7, s2  }
0x1e: {  	s7 =	smul.u32 @!p0 $0xF7A, s2;
	p2 =	seq.s32 @!p0 s5, $0x0  }
0x1f: {  	s9 =	smul.u32 $0xF7A, s1;
	s8 =	simm.s32 @!p0 $0x1BF5;
	p2 =	por !p2, p0  }
0x20: {  	[sflag:s8] =	ssyncset.s32 @!p0 $0xFFFFF086;
	s6 =	sadd.s32 @!p0 s3, s7;
	s7 =	simm.s32 @!p0 $0x108  }
0x21: {  	s3 =	sadd.s32 s3, s9;
	s6 =	sadd.s32 @!p0 $0x88, s6;
	s7 =	simm.s32 @p2 $0x1082  }
0x22: {  	[simem:s7], [sflag:s8] =	dma.local @!p0 [hbm:s6], $0xF7A  }
0x23: {  	s9 =	sor.u32 $0xD0000000, s2;
	s6 =	simm.s32 $0x108;
	_ =	swait.ge @!p0 [sflag:s8], $0x0  }
0x24: {  	s3 =	sadd.s32 $0x88, s3;
	s6 =	simm.s32 @!p1 $0x1082;
	[sflag:s4] =	ssyncset.s32 $0xFFFFF086  }
0x25: {  	[simem:s6], [sflag:s4] =	dma.local [hbm:s3], $0xF7A  }
0x26: {  	[smem:$0x3F97] =	sst s1;
	(tag) =	ssettag s2;
	_ =	strace s9  }
0x27: {  	s1 =	sld [smem:$0x3FA7]  }
0x28: {  	s2 =	sld [smem:$0x3FA8]  }
0x29: {  	s4 =	sld [smem:$0x3FAA]  }
0x2a: {  	p0 =	seq.s32 s5, $0x0;
	s5 =	sld [smem:$0x3FAB]  }
0x2b: {  	s6 =	sld [smem:$0x3FAC]  }
0x2c: {  	s7 =	sld [smem:$0x3FAD]  }
0x2d: {  	s3 =	simm.s32 $0x108;
	s8 =	sld [smem:$0x3FAE]  }
0x2e: {  	s3 =	simm.s32 @!p0 $0x1082;
	s9 =	sld [smem:$0x3FAF]  }
0x2f: {  	lr =	sadd.s32 s0, s3;
	s0 =	sld [smem:$0x3FA6]  }
0x30: {  	s3 =	sld [smem:$0x3FA9]  }
0x31: {  	[smem:$0x3FB2] =	sst s10  }
0x32: {  	s10 =	sld [smem:$0x3FB0];
	_ =	sdelay $0x3  }
0x33: {  	p0 =	seq.s32 s10, $0x1;
	s10 =	sld [smem:$0x3FB2];
	_ =	sdelay $0x3  }
0x34: {  	[smem:$0x3FB2] =	sst s10  }
0x35: {  	s10 =	sld [smem:$0x3FB1];
	_ =	sdelay $0x3  }
0x36: {  	p1 =	seq.s32 s10, $0x1;
	s10 =	sld [smem:$0x3FB2];
	_ =	sdelay $0x3  }
0x37: {  	[smem:$0x3FB2] =	sst s10  }
0x38: {  	s10 =	sld [smem:$0x3FB3]  }
0x39: {  	_ = 	snop;
	(pc) =	sbr.ind lr, $3  }
0x3a: {  	_ = 	snop  }
0x3b: {  	_ = 	snop  }
0x3c: {  	p2 =	seq.s32 s10, $0x1;
	s10 =	sld [smem:$0x3FB2]  }
0x3d: {  	_ =	shalt  }
0x3e: {  	_ =	shalt  }
0x3f: {  	_ =	shalt  }
0x40: {  	_ =	shalt  }
0x41: {  	_ =	shalt  }
0x42: {  	_ =	shalt  }
0x43: {  	_ =	shalt  }
0x44: {  	_ =	shalt  }
0x45: {  	_ =	shalt  }
0x46: {  	_ =	shalt  }
0x47: {  	_ =	shalt  }
0x48: {  	_ =	shalt  }
0x49: {  	_ =	shalt  }
0x4a: {  	_ =	shalt  }
0x4b: {  	_ =	shalt  }
0x4c: {  	_ =	shalt  }
0x4d: {  	_ =	shalt  }
0x4e: {  	_ =	shalt  }
0x4f: {  	_ =	shalt  }
0x50: {  	_ =	shalt  }
0x51: {  	_ =	shalt  }
0x52: {  	_ =	shalt  }
0x53: {  	_ =	shalt  }
0x54: {  	_ =	shalt  }
0x55: {  	_ =	shalt  }
0x56: {  	_ =	shalt  }
0x57: {  	_ =	shalt  }
0x58: {  	_ =	shalt  }
0x59: {  	_ =	shalt  }
0x5a: {  	_ =	shalt  }
0x5b: {  	_ =	shalt  }
0x5c: {  	_ =	shalt  }
0x5d: {  	_ =	shalt  }
0x5e: {  	_ =	shalt  }
0x5f: {  	_ =	shalt  }
0x60: {  	_ =	shalt  }
0x61: {  	_ =	shalt  }
0x62: {  	_ =	shalt  }
0x63: {  	_ =	shalt  }
0x64: {  	_ =	shalt  }
0x65: {  	_ =	shalt  }
0x66: {  	_ =	shalt  }
0x67: {  	_ =	shalt  }
0x68: {  	_ =	shalt  }
0x69: {  	_ =	shalt  }
0x6a: {  	_ =	shalt  }
0x6b: {  	_ =	shalt  }
0x6c: {  	_ =	shalt  }
0x6d: {  	_ =	shalt  }
0x6e: {  	_ =	shalt  }
0x6f: {  	_ =	shalt  }
0x70: {  	_ =	shalt  }
0x71: {  	_ =	shalt  }
0x72: {  	_ =	shalt  }
0x73: {  	_ =	shalt  }
0x74: {  	_ =	shalt  }
0x75: {  	_ =	shalt  }
0x76: {  	_ =	shalt  }
0x77: {  	_ =	shalt  }
0x78: {  	_ =	shalt  }
0x79: {  	_ =	shalt  }
0x7a: {  	_ =	shalt  }
0x7b: {  	_ =	shalt  }
0x7c: {  	_ =	shalt  }
0x7d: {  	_ =	shalt  }
0x7e: {  	_ =	shalt  }
0x7f: {  	_ =	shalt  }
0x80: {  	_ =	shalt  }
0x81: {  	_ =	shalt  }
0x82: {  	_ =	shalt  }
0x83: {  	_ =	shalt  }
0x84: {  	_ =	shalt  }
0x85: {  	_ =	shalt  }
0x86: {  	_ =	shalt  }
0x87: {  	_ =	shalt  }
.Lfunc_end0:
.L_simem_size_0:
called_computation_lowered:
.L_overlay_start_0:
0x88: {  	s2 =	sld [smem:$0x3FD9]  }
0x89: {  	s3 =	sld [smem:$0x3FFE];
	_ =	sdelay $0x1  }
0x8a: {  	s1 =	srdreg.scid  }
0x8b: {  	s0 =	sand.u32 $0x1, s1  }
0x8c: {  	s17 =	sshll.u32 s0, $0xA;
	s2 =	sadd.s32 s3, s2  }
0x8d: {  	s2 =	sadd.s32 s2, s17  }
0x8e: {  	[smem:$0x3FBE] =	sst s2  }
0x8f: {  	_ = 	snop  }
0x90: {  	s2 =	sld [smem:$0x3FD0];
	(tm) =	ssettm $0x1  }
0x91: {  	s18 =	sld [smem:$0x3FFB];
	_ =	sdelay $0x3  }
0x92: {  	_ =	strace s18  }
0x93: {  	s3 =	sld [smem:$0x3FFC];
	_ =	sdelay $0x3  }
0x94: {  	_ =	strace s3  }
0x95: {  	s3 =	sld [smem:$0x3FFD];
	_ =	sdelay $0x3  }
0x96: {  	_ =	strace s3  }
0x97: {  	_ =	strace $0x8FFFFFFF  }
0x98: {  	s19 =	sld [smem:$0x3FDB];
	_ =	sdelay $0x1  }
0x99: {  	s4 =	simm.s32 $_scs_section_size  }
0x9a: {  	s5 =	simm.s32 $_size__tile_overlayer_lowered;
	s6 =	simm.s32 $_tile_overlayer_lowered  }
0x9b: {  	s22 =	simm.s32 $0x1BFF;
	s21 =	sshll.u32 s6, $0x1;
	s3 =	sadd.s32 s4, s19  }
0x9c: {  	s7 =	simm.s32 $0x0;
	s20 =	sshll.u32 s5, $0x1;
	s5 =	sadd.s32 s21, s3  }
0x9d: {  	[timem:s7], [sflag:s22] =	dma.local [hbm:s5], s20  }
0x9e: {  	_ =	swait.ge [sflag:s22], s20  }
0x9f: {  	s4 =	ssub.s32 $0x0, s20;
	[sflag:s22] =	ssyncset.done $0x0  }
0xa0: {  	[sflag:s22] =	ssyncadd.s32 s4;
	_ =	sdelay $0x1  }
0xa1: {  	s23 =	simm.s32 $0x1B8B  }
0xa2: {  	_ =	swait.ge [sflag:s23], $0x1  }
0xa3: {  	[sflag:s23] =	ssyncset.done $0x0  }
0xa4: {  	s25 =	simm.s32 $0x1B8E;
	s24 =	sld [smem:$0x3FFE];
	[sflag:s23] =	ssyncadd.s32 $0xFFFFFFFF  }
0xa5: {  	s26 =	simm.s32 $execute0_lowered;
	[smem:$0x3FD2] =	sst s25  }
0xa6: {  	s5 =	sshll.u32 s26, $0x1;
	_ =	strace $0x80000046;
	[dreg:$0x1] =	wrdreg $0xFFFFFFFF  }
0xa7: {  	s28 =	simm.s32 $_size_execute0_lowered;
	s3 =	sadd.s32 s3, s5;
	[dreg:$0x0] =	wrdreg $0x0  }
0xa8: {  	s5 =	sshll.u32 s28, $0x1;
	[dreg:$0x2] =	wrdreg s3  }
0xa9: {  	[dreg:$0x3] =	wrdreg s5  }
0xaa: {  	[dreg:$0x4] =	wrdreg $0xC0  }
0xab: {  	_ =	task [dreg:s7], $0x5FFFF  }
0xac: {  	[dreg:$0x1] =	wrdreg $0xFFFFFFFF  }
0xad: {  	[dreg:$0x0] =	wrdreg $0x60  }
0xae: {  	[dreg:$0x2] =	wrdreg s2  }
0xaf: {  	[dreg:$0x3] =	wrdreg s24  }
0xb0: {  	[dreg:$0x4] =	wrdreg $0x32000  }
0xb1: {  	[dreg:$0x5] =	wrdreg $0x9  }
0xb2: {  	_ =	task.clear_ibuf [dreg:s7], $0x6FFFF;
	_ =	strace $0x90000046  }
0xb3: {  	s29 =	simm.s32 $0x9;
	_ =	strace $0x80000048  }
0xb4: {  	_ =	swait.ge [sflag:s29], $0x1  }
0xb5: {  	[sflag:s29] =	ssyncadd.s32 $0xFFFFFFFF  }
0xb6: {  	_ =	strace $0x90000048  }
0xb7: {  	_ =	sfence  }
0xb8: {  	s30 =	sld [smem:$0x0];
	_ =	sdelay $0x2  }
0xb9: {  	s31 =	sshll.u32 s1, $0xD;
	s1 =	sshrl.u32 s1, $0x2  }
0xba: {  	s3 =	sand.u32 $0x4000, s31;
	s1 =	sadd.s32 s1, s30  }
0xbb: {  	s0 =	sor.u32 s3, s0;
	s1 =	sshll.u32 s1, $0x11  }
0xbc: {  	s0 =	sor.u32 s1, s0  }
0xbd: {  	s0 =	sadd.s32 $0x8F2B, s0  }
0xbe: {  	[sflag:s0] =	ssyncadd.remote.s32 $0x1  }
0xbf: {  	_ =	sfence.sel $0xFFFF  }
0xc0: {  	[dreg:$0x0] =	wrdreg $0xFFFFFFFF;
	(pc) =	sbr.abs _section_cstart, $3  }
0xc1: {  	[dreg:$0x1] =	wrdreg $0xFFFFFFFF  }
0xc2: {  	_ =	task.clear_ibuf [dreg:s7], $0x2FFFF;
	_ =	strace $0x9FFFFFFF  }
0xc3: {  	(tm) =	ssettm $0x7FFFFFFF  }
tec
execute0_lowered:
.L_overlay_start_1:
0x0: {  	(tag) =	ssettag $0x1  }
0x1: {  	s7 =	rddreg [dreg:$0x0]  }
0x2: {  	s6 =	rddreg [dreg:$0x1]  }
0x3: {  	s2 =	rddreg [dreg:$0x2]  }
0x4: {  	s0 =	rddreg [dreg:$0x3];
	s1 =	stileid.u32  }
0x5: {  	s4 =	srdreg.scid;
	s3 =	simm.s32 $0x0;
	s9 =	smul.u32 $0x500, s1  }
0x6: {  	s14 =	simm.s32 $0x80;
	s15 =	simm.s32 $0x1;
	s11 =	smul.u32 $0xA000, s1  }
0x7: {  	s16 =	simm.s32 $0x0;
	s8 =	sand.u32 $0x1, s4;
	s26 =	smul.u32 $0x4C, s1  }
0x8: {  	[smem:$0x7FF] =	sst s3;
	s4 =	sadd.s32 $0x2C00, s6;
	s12 =	smul.u32 $0x54, s1  }
0x9: {  	s5 =	sadd.s32 $0x2600, s6;
	s31 =	sshll.u32 s1, $0x6;
	s10 =	smul.u32 $0x5000, s8  }
0xa: {  	_ =	strace $0x80000047;
	s28 =	ssub.s32 $0x2, s8;
	p0 =	seq.s32 s8, $0x0  }
0xb: {  	s13 =	sshrl.u32 s28, $0x1;
	s8 =	sadd.s32 $0x540, s26;
	s30 =	sshrl.u32 s11, $0x2  }
0xc: {  	s9 =	sadd.s32 s9, s10;
	s29 =	ssub.s32 s28, s13;
	s8 =	smov.u32 @p0 s12  }
0xd: {  	s11 =	sadd.s32 s30, s2;
	s12 =	simm.s32 $0x2;
	s13 =	simm.s32 $0x2A00  }
0xe: {  	s9 =	sadd.s32 s9, s6;
	s8 =	sshll.u32 s8, $0x4;
	s6 =	sor.u32 $0x1C02, s31  }
0xf: {  	s10 =	smax.u32 s29, $0x1;
	s7 =	sadd.s32 s7, s8;
	s8 =	simm.s32 $0x15  }
0x10: {  	s11 =	sshrl.u32 s11, $0x3;
	s9 =	sadd.s32 $0x2E00, s9;
	s8 =	simm.s32 @!p0 $0x13  }
.LBB2_1:
0x11: {  	[spmem:s11], [sflag:s6] =	dma.local [hbm:s5], $0x500  }
0x12: {  	_ =	swait.ge [sflag:s12], $0x500  }
0x13: {  	[sflag:s12] =	ssyncset.done $0x0  }
0x14: {  	[sflag:s12] =	ssyncadd.s32 $0xFFFFFB00  }
0x15: {  	[tilespmem:s13], [sflag:$0x2] =	stream.linear.gather [hbm4b:s4+s3], $0x800, $0x38;
	[tilespmem:$0x5A00] =	vst v63  }
0x16: {  	_ =	swait.ge [sflag:s12], $0x800  }
0x17: {  	[sflag:s12] =	ssyncset.done $0x0  }
0x18: {  	p1 =	sne.s32 s8, $0x1;
	[sflag:s12] =	ssyncadd.s32 $0xFFFFF800  }
0x19: {  	[tilespmem:s3], [sflag:$0x2] =	stream.linear.gather [hbm4b:s7+s3], $0x2A00, $0x38;
	[tilespmem:$0x5A00] =	vst v63  }
.Ltmp0:
0x1a: {  	_ =	swait.ge [sflag:s12], $0x2A00;
	(pc) =	sbr.rel @!p1 .LBB2_4-.Ltmp0, $4  }
0x1b: {  	[sflag:s12] =	ssyncset.done $0x0  }
0x1c: {  	[sflag:s12] =	ssyncadd.s32 $0xFFFFD600  }
0x1d: {  	[bflag:$0x0] =	sbarrier.arrive $0xFFFF  }
0x1e: {  	s17 =	simm.s32 $0x180;
	s18 =	sadd.s32 $0xFFFFFFFF, s8;
	p0 =	por $0x0, $0x0  }
0x1f: {  	s19 =	simm.s32 $0x0  }
0x20: {  	[spmem:s2] =	stream.indirect.scatter.add.f32 [tilespmem:s13], [sflag:$0x1], $0x10, s19, s14, $0xb8;
	[tilespmem:$0x5A00] =	vst v63  }
0x21: {  	s30 =	simm.s32 $0x80  }
0x22: {  	[spmem:s2] =	stream.indirect.scatter.add.f32 [tilespmem:s13], [sflag:$0x1], $0x10, s30, s14, $0xb8;
	[tilespmem:$0x5A00] =	vst v63  }
0x23: {  	s31 =	simm.s32 $0x100  }
0x24: {  	[spmem:s2] =	stream.indirect.scatter.add.f32 [tilespmem:s13], [sflag:$0x1], $0x10, s31, s14, $0xb8;
	[tilespmem:$0x5A00] =	vst v63  }
0x25: {  	_ = 	snop  }
0x26: {  	[spmem:s2] =	stream.indirect.scatter.add.f32 [tilespmem:s13], [sflag:$0x1], $0x10, s17, s14, $0xb8;
	[tilespmem:$0x5A00] =	vst v63  }
0x27: {  	_ =	swait.ge [sflag:s15], $0x800  }
0x28: {  	[sflag:s15] =	ssyncset.done $0x0  }
0x29: {  	[sflag:s15] =	ssyncadd.s32 $0xFFFFF800  }
0x2a: {  	_ =	swait.ge [sflag:s15], $0x800  }
0x2b: {  	[sflag:s15] =	ssyncset.done $0x0  }
0x2c: {  	p1 =	sne.s32 s18, $0x1;
	[sflag:s15] =	ssyncadd.s32 $0xFFFFF800  }
.Ltmp1:
0x2d: {  	_ =	swait.ge [sflag:s15], $0x800;
	(pc) =	sbr.rel @!p1 .LBB2_4-.Ltmp1, $4  }
0x2e: {  	[sflag:s15] =	ssyncset.done $0x0  }
0x2f: {  	[sflag:s15] =	ssyncadd.s32 $0xFFFFF800  }
0x30: {  	s18 =	sadd.s32 $0xFFFFFFFF, s18;
	_ =	swait.ge [sflag:s15], $0x800  }
0x31: {  	p0 =	por $0x1, $0x1;
	s17 =	simm.s32 $0x380;
	[sflag:s15] =	ssyncset.done $0x0  }
.LBB2_3:
0x32: {  	p1 =	sne.s32 s18, $0x1;
	s19 =	sadd.s32 $0xFFFFFE80, s17;
	[sflag:s15] =	ssyncadd.s32 $0xFFFFF800  }
0x33: {  	[spmem:s2] =	stream.indirect.scatter.add.f32 [tilespmem:s13], [sflag:$0x1], $0x10, s19, s14, $0xb8;
	[tilespmem:$0x5A00] =	vst v63  }
0x34: {  	s18 =	sadd.s32 $0xFFFFFFFF, s18;
	s19 =	sadd.s32 $0xFFFFFF00, s17  }
0x35: {  	[spmem:s2] =	stream.indirect.scatter.add.f32 [tilespmem:s13], [sflag:$0x1], $0x10, s19, s14, $0xb8;
	[tilespmem:$0x5A00] =	vst v63  }
0x36: {  	s19 =	sadd.s32 $0xFFFFFF80, s17  }
0x37: {  	[spmem:s2] =	stream.indirect.scatter.add.f32 [tilespmem:s13], [sflag:$0x1], $0x10, s19, s14, $0xb8;
	[tilespmem:$0x5A00] =	vst v63  }
0x38: {  	_ = 	snop  }
0x39: {  	[spmem:s2] =	stream.indirect.scatter.add.f32 [tilespmem:s13], [sflag:$0x1], $0x10, s17, s14, $0xb8;
	[tilespmem:$0x5A00] =	vst v63  }
0x3a: {  	_ =	swait.ge [sflag:s15], $0x800  }
0x3b: {  	[sflag:s15] =	ssyncset.done $0x0  }
0x3c: {  	[sflag:s15] =	ssyncadd.s32 $0xFFFFF800  }
0x3d: {  	_ =	swait.ge [sflag:s15], $0x800  }
0x3e: {  	[sflag:s15] =	ssyncset.done $0x0  }
0x3f: {  	[sflag:s15] =	ssyncadd.s32 $0xFFFFF800  }
.Ltmp2:
0x40: {  	_ =	swait.ge [sflag:s15], $0x800;
	(pc) =	sbr.rel @p1 .LBB2_3-.Ltmp2, $4  }
0x41: {  	[sflag:s15] =	ssyncset.done $0x0  }
0x42: {  	[sflag:s15] =	ssyncadd.s32 $0xFFFFF800  }
0x43: {  	_ =	swait.ge [sflag:s15], $0x800  }
0x44: {  	s17 =	sadd.s32 $0x200, s17;
	[sflag:s15] =	ssyncset.done $0x0  }
.LBB2_4:
0x45: {  	s18 =	sadd.s32 $0xFFFFFE80, s17;
	[sflag:s15] =	ssyncadd.s32 @p0 $0xFFFFF800  }
0x46: {  	[spmem:s2] =	stream.indirect.scatter.add.f32 [tilespmem:s13], [sflag:$0x1], $0x10, s18, s14, $0xb8;
	[tilespmem:$0x5A00] =	vst v63  }
0x47: {  	s30 =	sadd.s32 $0xFFFFFF00, s17  }
0x48: {  	[spmem:s2] =	stream.indirect.scatter.add.f32 [tilespmem:s13], [sflag:$0x1], $0x10, s30, s14, $0xb8;
	[tilespmem:$0x5A00] =	vst v63  }
0x49: {  	s31 =	sadd.s32 $0xFFFFFF80, s17  }
0x4a: {  	[spmem:s2] =	stream.indirect.scatter.add.f32 [tilespmem:s13], [sflag:$0x1], $0x10, s31, s14, $0xb8;
	[tilespmem:$0x5A00] =	vst v63  }
0x4b: {  	_ = 	snop  }
0x4c: {  	[spmem:s2] =	stream.indirect.scatter.add.f32 [tilespmem:s13], [sflag:$0x1], $0x10, s17, s14, $0xb8;
	[tilespmem:$0x5A00] =	vst v63  }
0x4d: {  	_ =	swait.ge [sflag:s15], $0x800  }
0x4e: {  	[sflag:s15] =	ssyncset.done $0x0  }
0x4f: {  	[sflag:s15] =	ssyncadd.s32 $0xFFFFF800  }
0x50: {  	_ =	swait.ge [sflag:s15], $0x800  }
0x51: {  	[sflag:s15] =	ssyncset.done $0x0  }
0x52: {  	[sflag:s15] =	ssyncadd.s32 $0xFFFFF800  }
0x53: {  	_ =	swait.ge [sflag:s15], $0x800  }
0x54: {  	[sflag:s15] =	ssyncset.done $0x0  }
0x55: {  	[sflag:s15] =	ssyncadd.s32 $0xFFFFF800  }
0x56: {  	_ =	swait.ge [sflag:s15], $0x800  }
0x57: {  	s16 =	sadd.s32 $0x1, s16;
	[sflag:s15] =	ssyncset.done $0x0  }
0x58: {  	p0 =	sne.s32 s16, s10;
	[sflag:s15] =	ssyncadd.s32 $0xFFFFF800  }
.Ltmp3:
0x59: {  	[bflag:$0x0] =	sbarrier.arrive $0xFFFF;
	(pc) =	sbr.rel @p0 .LBB2_1-.Ltmp3, $4  }
0x5a: {  	[hbm:s9], [sflag:s6] =	dma.local [spmem:s11], $0x500  }
0x5b: {  	_ =	swait.ge [sflag:s12], $0x500  }
0x5c: {  	[sflag:s12] =	ssyncset.done $0x0  }
0x5d: {  	[sflag:s12] =	ssyncadd.s32 $0xFFFFFB00  }
0x5e: {  	_ =	sfence.sel $0x180000  }
0x5f: {  	[bflag:$0x0] =	sbarrier.arrive $0xFFFF  }
0x60: {  	p0 =	sne.s32 s1, $0x0;
	_ =	strace $0x90000047  }
0x61: {  	s0 =	sadd.s32 @!p0 $0x100000, s0;
	[bflag:$0x2] =	sbarrier.arrive $0xFFFF  }
0x62: {  	[sflag:s0] =	ssyncadd.tile.s32 @!p0 $0x1;
	_ =	shalt  }
.Lfunc_end2:
_tile_overlayer_lowered:
.L_overlay_start_2:
0x63: {  	(tag) =	ssettag $0x2  }
0x64: {  	s0 =	rddreg [dreg:$0x0];
	s2 =	stileid.u32  }
0x65: {  	s1 =	rddreg [dreg:$0x1];
	p0 =	sne.s32 s2, $0x0  }
0x66: {  	s3 =	rddreg [dreg:$0x2];
	[bflag:$0x3] =	sbarrier.arrive $0xFFFF;
	s2 =	simm.s32 @!p0 $0x1C02  }
0x67: {  	[timem:s3], [sflag:s2] =	dma.local @!p0 [hbm:s0], s1  }
0x68: {  	s0 =	simm.s32 @!p0 $0x2  }
0x69: {  	_ =	swait.ge @!p0 [sflag:s0], s1  }
0x6a: {  	s1 =	ssub.s32 @!p0 $0x0, s1;
	[sflag:s0] =	ssyncset.done @!p0 $0x0  }
0x6b: {  	[sflag:s0] =	ssyncadd.s32 @!p0 s1  }
0x6c: {  	[bflag:$0x3] =	sbarrier.arrive $0xFFFF  }
0x6d: {  	_ =	shalt  }

</sc_bundles>
